<compile_context>
chip_gen: v7x
topology: tpu7x:2x2x1
jax: 0.10.2.dev20260603
libtpu: 0.0.44.dev20260713+nightly
codegen_flags: <defaults>
</compile_context>

<pallas_src>
import functools

import jax
import jax.numpy as jnp
import numpy as np
from jax import lax
from jax.experimental import pallas as pl
from jax.experimental.pallas import tpu as pltpu
from jax.experimental.pallas import tpu_sc as plsc

_N = 10000
_E = 320000
_ND = 10240
_EP = 327680
_NC = 2
_NT = 16
_BLK = 128
_RPT = _ND // _NT
_BLOCKS_ALL = _EP // (_NT * _BLK)
_BLOCKS_HALF = _EP // (_NC * _NT * _BLK)

_CHUNK = 40
_TC_ROWS = 5000

_sc_mesh = plsc.VectorSubcoreMesh(core_axis_name="c", subcore_axis_name="s")

_SPREAD = np.arange(_EP - _E, dtype=np.int32) % 128
_PAD2D = np.stack([_SPREAD, _N + _SPREAD]).reshape(2, (_EP - _E) // _BLK, _BLK)



def _hist_body(dst_hbm, zeros_hbm, ones_hbm, out_hbm, acc, didx, ones_v,
               sem0, sem1):
    cid = lax.axis_index("c")
    sid = lax.axis_index("s")
    r0 = sid * _RPT
    pltpu.sync_copy(zeros_hbm.at[pl.ds(r0, _RPT)], acc.at[pl.ds(r0, _RPT)])
    pltpu.sync_copy(ones_hbm, ones_v)
    tid = cid * _NT + sid
    blk0 = tid * _BLOCKS_HALF
    pltpu.sync_copy(dst_hbm.at[pl.ds(blk0, _BLOCKS_HALF)], didx)
    plsc.subcore_barrier()

    def body(i, carry):
        @pl.when(i > 0)
        def _():
            pltpu.make_async_copy(ones_v, acc.at[didx.at[0]], sem0).wait()
            pltpu.make_async_copy(ones_v, acc.at[didx.at[0]], sem1).wait()

        pltpu.async_copy(ones_v, acc.at[didx.at[2 * i]], sem0, add=True)
        pltpu.async_copy(ones_v, acc.at[didx.at[2 * i + 1]], sem1, add=True)
        return carry

    lax.fori_loop(0, _BLOCKS_HALF // 2, body, 0)
    pltpu.make_async_copy(ones_v, acc.at[didx.at[0]], sem0).wait()
    pltpu.make_async_copy(ones_v, acc.at[didx.at[0]], sem1).wait()
    plsc.subcore_barrier()
    pltpu.sync_copy(acc.at[pl.ds(r0, _RPT)], out_hbm.at[cid, pl.ds(r0, _RPT)])


_hist_call = pl.kernel(
    _hist_body,
    out_type=jax.ShapeDtypeStruct((_NC, _ND, 128), jnp.float32),
    mesh=_sc_mesh,
    scratch_types=[
        pltpu.VMEM_SHARED((_ND, 128), jnp.float32),
        pltpu.VMEM((_BLOCKS_HALF, _BLK), jnp.int32),
        pltpu.VMEM((_BLK, 128), jnp.float32),
        pltpu.SemaphoreType.DMA,
        pltpu.SemaphoreType.DMA,
    ],
)


def _spmm_body(split_edges, tables_hbm, src_hbm, dst_hbm, out_hbm, acc,
               sidx, didx, rows0, rows1, gsem0, gsem1):
    cid = lax.axis_index("c")
    sid = lax.axis_index("s")
    r0 = sid * _RPT
    if split_edges:
        table = tables_hbm
        nblocks = _BLOCKS_HALF
        blk0 = (cid * _NT + sid) * _BLOCKS_HALF
    else:
        table = tables_hbm.at[cid]
        nblocks = _BLOCKS_ALL
        blk0 = sid * _BLOCKS_ALL
    pltpu.sync_copy(table.at[pl.ds(r0, _RPT)], acc.at[pl.ds(r0, _RPT)])
    plsc.subcore_barrier()

    def chunk_body(ci, carry):
        base = blk0 + ci * _CHUNK
        pltpu.sync_copy(src_hbm.at[pl.ds(base, _CHUNK)], sidx)
        pltpu.sync_copy(dst_hbm.at[pl.ds(base, _CHUNK)], didx)
        pltpu.async_copy(table.at[sidx.at[0]], rows0, gsem0)

        def body(i, c):
            b = 2 * i
            pltpu.async_copy(table.at[sidx.at[b + 1]], rows1, gsem1)
            pltpu.make_async_copy(table.at[sidx.at[b]], rows0, gsem0).wait()
            pltpu.sync_copy(rows0, acc.at[didx.at[b]], add=True)

            @pl.when(b + 2 < _CHUNK)
            def _():
                pltpu.async_copy(table.at[sidx.at[b + 2]], rows0, gsem0)

            pltpu.make_async_copy(table.at[sidx.at[b + 1]], rows1,
                                  gsem1).wait()
            pltpu.sync_copy(rows1, acc.at[didx.at[b + 1]], add=True)
            return c

        lax.fori_loop(0, _CHUNK // 2, body, 0)
        return carry

    lax.fori_loop(0, nblocks // _CHUNK, chunk_body, 0)
    plsc.subcore_barrier()
    pltpu.sync_copy(acc.at[pl.ds(r0, _RPT)], out_hbm.at[cid, pl.ds(r0, _RPT)])


def _make_spmm(split_edges):
    nblocks = _BLOCKS_HALF if split_edges else _BLOCKS_ALL
    return pl.kernel(
        functools.partial(_spmm_body, split_edges),
        out_type=jax.ShapeDtypeStruct((_NC, _ND, 128), jnp.float32),
        mesh=_sc_mesh,
        scratch_types=[
            pltpu.VMEM_SHARED((_ND, 128), jnp.float32),
            pltpu.VMEM((_CHUNK, _BLK), jnp.int32),
            pltpu.VMEM((_CHUNK, _BLK), jnp.int32),
            pltpu.VMEM((_BLK, 128), jnp.float32),
            pltpu.VMEM((_BLK, 128), jnp.float32),
            pltpu.SemaphoreType.DMA,
            pltpu.SemaphoreType.DMA,
        ],
    )


_spmm0_call = _make_spmm(True)
_spmm1_call = _make_spmm(False)



def _scale_body(h0_ref, h1_ref, x_ref, out_ref):
    dinv = lax.rsqrt(h0_ref[0, :, :1] + h1_ref[0, :, :1] + 1.0)
    out_ref[...] = x_ref[...] * dinv


_scale_call = pl.pallas_call(
    _scale_body,
    grid=(_N // _TC_ROWS,),
    in_specs=[
        pl.BlockSpec((1, _TC_ROWS, 128), lambda i: (0, i, 0)),
        pl.BlockSpec((1, _TC_ROWS, 128), lambda i: (1, i, 0)),
        pl.BlockSpec((_TC_ROWS, 128), lambda i: (i, 0)),
    ],
    out_specs=pl.BlockSpec((_TC_ROWS, 128), lambda i: (i, 0)),
    out_shape=jax.ShapeDtypeStruct((_ND, 128), jnp.float32),
)


def _mid_body(h0_ref, h1_ref, a_ref, xt_ref, w1_ref, b1_ref, out_ref):
    dinv = lax.rsqrt(h0_ref[0, :, :1] + h1_ref[0, :, :1] + 1.0)
    agg = (a_ref[0] + a_ref[1] - xt_ref[...]) * dinv
    h = jnp.dot(agg, w1_ref[...], preferred_element_type=jnp.float32)
    h = jnp.maximum(h + b1_ref[...], 0.0) * dinv
    out_ref[0] = h[:, :128]
    out_ref[1] = h[:, 128:]


_mid_call = pl.pallas_call(
    _mid_body,
    grid=(_N // _TC_ROWS,),
    in_specs=[
        pl.BlockSpec((1, _TC_ROWS, 128), lambda i: (0, i, 0)),
        pl.BlockSpec((1, _TC_ROWS, 128), lambda i: (1, i, 0)),
        pl.BlockSpec((_NC, _TC_ROWS, 128), lambda i: (0, i, 0)),
        pl.BlockSpec((_TC_ROWS, 128), lambda i: (i, 0)),
        pl.BlockSpec((128, 256), lambda i: (0, 0)),
        pl.BlockSpec((1, 256), lambda i: (0, 0)),
    ],
    out_specs=pl.BlockSpec((_NC, _TC_ROWS, 128), lambda i: (0, i, 0)),
    out_shape=jax.ShapeDtypeStruct((_NC, _ND, 128), jnp.float32),
)


def _out_body(h0_ref, h1_ref, a_ref, w2_ref, b2_ref, wl_ref, bl_ref, out_ref):
    dinv = lax.rsqrt(h0_ref[0, :, :1] + h1_ref[0, :, :1] + 1.0)
    agg = jnp.concatenate([a_ref[0], a_ref[1]], axis=1) * dinv
    h = jnp.dot(agg, w2_ref[...], preferred_element_type=jnp.float32)
    h = jnp.maximum(h + b2_ref[...], 0.0)
    out_ref[...] = (
        jnp.dot(h, wl_ref[...], preferred_element_type=jnp.float32)[:, :18]
        + bl_ref[...]
    )


_out_call = pl.pallas_call(
    _out_body,
    grid=(_N // _TC_ROWS,),
    in_specs=[
        pl.BlockSpec((1, _TC_ROWS, 128), lambda i: (0, i, 0)),
        pl.BlockSpec((1, _TC_ROWS, 128), lambda i: (1, i, 0)),
        pl.BlockSpec((_NC, _TC_ROWS, 128), lambda i: (0, i, 0)),
        pl.BlockSpec((256, 256), lambda i: (0, 0)),
        pl.BlockSpec((1, 256), lambda i: (0, 0)),
        pl.BlockSpec((256, 128), lambda i: (0, 0)),
        pl.BlockSpec((1, 18), lambda i: (0, 0)),
    ],
    out_specs=pl.BlockSpec((_TC_ROWS, 18), lambda i: (i, 0)),
    out_shape=jax.ShapeDtypeStruct((_N, 18), jnp.float32),
)


def _repack_body(e_ref, p_ref, out_ref):
    out_ref[:, : _E // _BLK] = e_ref[...]
    out_ref[:, _E // _BLK:] = p_ref[...]


_repack_call = pl.pallas_call(
    _repack_body,
    in_specs=[
        pl.BlockSpec((2, _E // _BLK, _BLK), lambda: (0, 0, 0)),
        pl.BlockSpec((2, (_EP - _E) // _BLK, _BLK), lambda: (0, 0, 0)),
    ],
    out_specs=pl.BlockSpec((2, _EP // _BLK, _BLK), lambda: (0, 0, 0)),
    out_shape=jax.ShapeDtypeStruct((2, _EP // _BLK, _BLK), jnp.int32),
)



def kernel(x, edge_index, W1, b1, W2, b2, Wl, bl):
    n_out = Wl.shape[1]
    src = edge_index[0].astype(jnp.int32)
    dst = edge_index[1].astype(jnp.int32)
    e3 = jnp.stack([src, dst]).reshape(2, _E // _BLK, _BLK)
    pad2d = jnp.asarray(_PAD2D)
    edges = _repack_call(e3, pad2d)
    src2d = edges[0]
    dst2d = edges[1]

    zeros_hist = jnp.zeros((_ND, 128), jnp.float32)
    ones_blk = jnp.ones((_BLK, 128), jnp.float32)
    hist = _hist_call(dst2d, zeros_hist, ones_blk)

    xt = _scale_call(hist, hist, x)
    a0 = _spmm0_call(xt, src2d, dst2d)
    ht = _mid_call(hist, hist, a0, xt, W1, b1.reshape(1, -1))
    a1 = _spmm1_call(ht, src2d, dst2d)

    wl_pad = jnp.pad(Wl, ((0, 0), (0, 128 - n_out)))
    out = _out_call(hist, hist, a1, W2, b2.reshape(1, -1), wl_pad,
                    bl.reshape(1, -1))
    return out

# --- scband reference (transcript-rebuilt; emitter-appended) ---
"""Pipeline reference for scband-ray-obs-graph-19945828122705 (READ-ONLY COPY).

The authoritative reference and input builder live on the scoring server;
editing this copy changes nothing except your own understanding.
"""

import jax, jax.numpy as jnp
import numpy as np

N = 10000
E = 320000
D_FEAT = 128
D_HID = 256
D_OUT = 256
NUM_OUTPUTS = 18


def setup_inputs(seed: int = 0) -> dict:
    key = jax.random.key(seed)
    ks = jax.random.split(key, 10)
    x = jax.random.normal(ks[0], (N, D_FEAT), dtype=jnp.float32)
    edge_index = jax.random.randint(ks[1], (2, E), 0, N)
    # GCN layer 0: obs_dim -> hidden
    W1 = jax.random.normal(ks[2], (D_FEAT, D_HID), dtype=jnp.float32) * (1.0 / np.sqrt(D_FEAT))
    b1 = jnp.zeros((D_HID,), dtype=jnp.float32)
    # GCN layer 1: hidden -> gcn_output_size
    W2 = jax.random.normal(ks[3], (D_HID, D_OUT), dtype=jnp.float32) * (1.0 / np.sqrt(D_HID))
    b2 = jnp.zeros((D_OUT,), dtype=jnp.float32)
    # logit branch (SlimFC, xavier)
    Wl = jax.random.normal(ks[4], (D_OUT, NUM_OUTPUTS), dtype=jnp.float32) * np.sqrt(2.0 / (D_OUT + NUM_OUTPUTS))
    bl = jnp.zeros((NUM_OUTPUTS,), dtype=jnp.float32)
    return {"x": x, "edge_index": edge_index, "W1": W1, "b1": b1, "W2": W2, "b2": b2, "Wl": Wl, "bl": bl}


def _gcn_conv(x, src, dst, norm, W, b):
    # GCNConv: D^{-1/2} (A + I) D^{-1/2} X W + b
    h = x @ W
    msgs = h[src] * norm[:, None]
    agg = jax.ops.segment_sum(msgs, dst, num_segments=N)
    return agg + b


def reference(x, edge_index, W1, b1, W2, b2, Wl, bl):
    src = edge_index[0]
    dst = edge_index[1]
    # add self loops (GCNConv default)
    loop = jnp.arange(N, dtype=src.dtype)
    src = jnp.concatenate([src, loop])
    dst = jnp.concatenate([dst, loop])
    # symmetric normalization
    ones = jnp.ones(src.shape[0], dtype=jnp.float32)
    deg = jax.ops.segment_sum(ones, dst, num_segments=N)
    dinv = jnp.where(deg > 0, 1.0 / jnp.sqrt(deg), 0.0)
    norm = dinv[src] * dinv[dst]
    # layer 0 + ReLU act
    h = jax.nn.relu(_gcn_conv(x, src, dst, norm, W1, b1))
    # layer 1 + ReLU act
    h = jax.nn.relu(_gcn_conv(h, src, dst, norm, W2, b2))
    # logit branch
    logits = h @ Wl + bl
    return logits

if __name__ == "__main__":
    import jax
    _d = setup_inputs()
    print(jax.jit(kernel)(*tuple(_d.values())))

</pallas_src>

<mosaic_0001>
#map = affine_map<(d0, d1) -> (0, 0)>
#map1 = affine_map<(d0, d1) -> (0, 0, 0)>
module attributes {stable_mosaic.version = 14 : i64} {
  func.func @_hist_body(%arg0: i32, %arg1: i32, %arg2: memref<2560x128xi32, #tpu.memory_space<hbm>>, %arg3: memref<10240x128xf32, #tpu.memory_space<hbm>>, %arg4: memref<128x128xf32, #tpu.memory_space<hbm>>, %arg5: memref<2x10240x128xf32, #tpu.memory_space<hbm>>, %arg6: memref<10240x128xf32, #tpu.memory_space<vmem_shared>>, %arg7: memref<80x128xi32, #tpu.memory_space<vmem>>, %arg8: memref<128x128xf32, #tpu.memory_space<vmem>>, %arg9: memref<!tpu.dma_semaphore, #tpu.memory_space<semaphore_mem>>, %arg10: memref<!tpu.dma_semaphore, #tpu.memory_space<semaphore_mem>>) attributes {dimension_semantics = [#tpu.dimension_semantics<core_parallel>, #tpu.dimension_semantics<subcore_parallel>], iteration_bounds = array<i64: 2, 16>, scalar_prefetch = 0 : i64, scratch_operands = 5 : i64, tpu.core_type = #tpu.core_type<sc_vector_subcore>, window_params = [{transform_indices = #map}, {transform_indices = #map}, {transform_indices = #map}, {transform_indices = #map1}]} {
    %mul3A = arith.constant 640 : i32
    %mul3A_0 = arith.muli %arg1, %mul3A : i32
    "tpu.region"() ({
      %run_scoped3A = tpu.sem_alloc : memref<!tpu.dma_semaphore, #tpu.memory_space<semaphore_mem>>
      %dma_start3A = arith.constant 0 : i32
      %dma_start3A_24 = tpu.memref_slice %arg6[%mul3A_0, %dma_start3A] : memref<10240x128xf32, #tpu.memory_space<vmem_shared>> -> memref<640x128xf32, #tpu.memory_space<vmem_shared>>
      %dma_start3A_25 = arith.constant 0 : i32
      %dma_start3A_26 = tpu.memref_slice %arg3[%mul3A_0, %dma_start3A_25] : memref<10240x128xf32, #tpu.memory_space<hbm>> -> memref<640x128xf32, #tpu.memory_space<hbm>>
      tpu.enqueue_dma source(%dma_start3A_26 : memref<640x128xf32, #tpu.memory_space<hbm>>) target(%dma_start3A_24 : memref<640x128xf32, #tpu.memory_space<vmem_shared>>) target_semaphore(%run_scoped3A : memref<!tpu.dma_semaphore, #tpu.memory_space<semaphore_mem>>)
      %dma_wait3A_27 = arith.constant 0 : i32
      %dma_wait3A_28 = tpu.memref_slice %arg6[%mul3A_0, %dma_wait3A_27] : memref<10240x128xf32, #tpu.memory_space<vmem_shared>> -> memref<640x128xf32, #tpu.memory_space<vmem_shared>>
      %dma_wait3A_29 = arith.constant 0 : i32
      %dma_wait3A_30 = tpu.memref_slice %arg3[%mul3A_0, %dma_wait3A_29] : memref<10240x128xf32, #tpu.memory_space<hbm>> -> memref<640x128xf32, #tpu.memory_space<hbm>>
      tpu.wait_dma2 semaphore(%run_scoped3A : memref<!tpu.dma_semaphore, #tpu.memory_space<semaphore_mem>>) src(%dma_wait3A_30 : memref<640x128xf32, #tpu.memory_space<hbm>>) dst(%dma_wait3A_28 : memref<640x128xf32, #tpu.memory_space<vmem_shared>>)
      tpu.yield
    }) : () -> ()
    "tpu.region"() ({
      %run_scoped3A = tpu.sem_alloc : memref<!tpu.dma_semaphore, #tpu.memory_space<semaphore_mem>>
      tpu.enqueue_dma source(%arg4 : memref<128x128xf32, #tpu.memory_space<hbm>>) target(%arg8 : memref<128x128xf32, #tpu.memory_space<vmem>>) target_semaphore(%run_scoped3A : memref<!tpu.dma_semaphore, #tpu.memory_space<semaphore_mem>>)
      tpu.wait_dma2 semaphore(%run_scoped3A : memref<!tpu.dma_semaphore, #tpu.memory_space<semaphore_mem>>) src(%arg4 : memref<128x128xf32, #tpu.memory_space<hbm>>) dst(%arg8 : memref<128x128xf32, #tpu.memory_space<vmem>>)
      tpu.yield
    }) : () -> ()
    %mul3A_1 = arith.constant 16 : i32
    %mul3A_2 = arith.muli %arg0, %mul3A_1 : i32
    %add3A = arith.addi %mul3A_2, %arg1 : i32
    %mul3A_3 = arith.constant 80 : i32
    %mul3A_4 = arith.muli %add3A, %mul3A_3 : i32
    "tpu.region"() ({
      %run_scoped3A = tpu.sem_alloc : memref<!tpu.dma_semaphore, #tpu.memory_space<semaphore_mem>>
      %dma_start3A = arith.constant 0 : i32
      %dma_start3A_24 = tpu.memref_slice %arg2[%mul3A_4, %dma_start3A] : memref<2560x128xi32, #tpu.memory_space<hbm>> -> memref<80x128xi32, #tpu.memory_space<hbm>>
      %dma_start3A_25 = arith.constant 0 : i32
      %dma_start3A_26 = tpu.memref_slice %arg2[%mul3A_4, %dma_start3A_25] : memref<2560x128xi32, #tpu.memory_space<hbm>> -> memref<80x128xi32, #tpu.memory_space<hbm>>
      tpu.enqueue_dma source(%dma_start3A_26 : memref<80x128xi32, #tpu.memory_space<hbm>>) target(%arg7 : memref<80x128xi32, #tpu.memory_space<vmem>>) target_semaphore(%run_scoped3A : memref<!tpu.dma_semaphore, #tpu.memory_space<semaphore_mem>>)
      %dma_wait3A_27 = arith.constant 0 : i32
      %dma_wait3A_28 = tpu.memref_slice %arg2[%mul3A_4, %dma_wait3A_27] : memref<2560x128xi32, #tpu.memory_space<hbm>> -> memref<80x128xi32, #tpu.memory_space<hbm>>
      %dma_wait3A_29 = arith.constant 0 : i32
      %dma_wait3A_30 = tpu.memref_slice %arg2[%mul3A_4, %dma_wait3A_29] : memref<2560x128xi32, #tpu.memory_space<hbm>> -> memref<80x128xi32, #tpu.memory_space<hbm>>
      tpu.wait_dma2 semaphore(%run_scoped3A : memref<!tpu.dma_semaphore, #tpu.memory_space<semaphore_mem>>) src(%dma_wait3A_30 : memref<80x128xi32, #tpu.memory_space<hbm>>) dst(%arg7 : memref<80x128xi32, #tpu.memory_space<vmem>>)
      tpu.yield
    }) : () -> ()
    %barrier3A = arith.constant 0 : index
    tpu.barrier barrier_id(%barrier3A)
    %scan3A = arith.constant 0 : i32
    %scan3A_5 = arith.constant 0 : i32
    %scan3A_6 = arith.constant 40 : i32
    %scan3A_7 = arith.addi %scan3A_5, %scan3A_6 : i32
    %scan3A_8 = arith.constant 1 : i32
    scf.for %scan3A_24 = %scan3A_5 to %scan3A_7 step %scan3A_8  : i32 {
      %gt3A = arith.constant 0 : i32
      %gt3A_25 = arith.cmpi sgt, %scan3A_24, %gt3A : i32
      %convert_element_type3A = arith.extui %gt3A_25 : i1 to i32
      %cond3A = arith.constant 0 : i32
      %cond3A_26 = arith.cmpi ne, %convert_element_type3A, %cond3A : i32
      scf.if %cond3A_26 {
        %dma_wait3A_44 = arith.constant 0 : i32
        %dma_wait3A_45 = arith.constant 0 : i32
        %dma_wait3A_46 = tpu.memref_slice %arg7[%dma_wait3A_44, %dma_wait3A_45] : memref<80x128xi32, #tpu.memory_space<vmem>> -> memref<1x128xi32, #tpu.memory_space<vmem>>
        %dma_wait3A_47 = tpu.memref_squeeze %dma_wait3A_46 : memref<1x128xi32, #tpu.memory_space<vmem>> -> memref<128xi32, #tpu.memory_space<vmem>>
        %dma_wait3A_48 = arith.constant 0 : i32
        %dma_wait3A_49 = arith.constant 0 : i32
        %dma_wait3A_50 = tpu.memref_slice %arg6[%dma_wait3A_48, %dma_wait3A_49] : memref<10240x128xf32, #tpu.memory_space<vmem_shared>> -> memref<10240x128xf32, #tpu.memory_space<vmem_shared>>
        tpu.wait_indirect_dma semaphore(%arg9 : memref<!tpu.dma_semaphore, #tpu.memory_space<semaphore_mem>>) src(%arg8 : memref<128x128xf32, #tpu.memory_space<vmem>>) dst(%dma_wait3A_50 : memref<10240x128xf32, #tpu.memory_space<vmem_shared>>)
        %dma_wait3A_51 = arith.constant 0 : i32
        %dma_wait3A_52 = arith.constant 0 : i32
        %dma_wait3A_53 = tpu.memref_slice %arg7[%dma_wait3A_51, %dma_wait3A_52] : memref<80x128xi32, #tpu.memory_space<vmem>> -> memref<1x128xi32, #tpu.memory_space<vmem>>
        %dma_wait3A_54 = tpu.memref_squeeze %dma_wait3A_53 : memref<1x128xi32, #tpu.memory_space<vmem>> -> memref<128xi32, #tpu.memory_space<vmem>>
        %dma_wait3A_55 = arith.constant 0 : i32
        %dma_wait3A_56 = arith.constant 0 : i32
        %dma_wait3A_57 = tpu.memref_slice %arg6[%dma_wait3A_55, %dma_wait3A_56] : memref<10240x128xf32, #tpu.memory_space<vmem_shared>> -> memref<10240x128xf32, #tpu.memory_space<vmem_shared>>
        tpu.wait_indirect_dma semaphore(%arg10 : memref<!tpu.dma_semaphore, #tpu.memory_space<semaphore_mem>>) src(%arg8 : memref<128x128xf32, #tpu.memory_space<vmem>>) dst(%dma_wait3A_57 : memref<10240x128xf32, #tpu.memory_space<vmem_shared>>)
      } else {
      }
      %mul3A_27 = arith.constant 2 : i32
      %mul3A_28 = arith.muli %mul3A_27, %scan3A_24 : i32
      %dma_start3A = arith.constant 0 : i32
      %dma_start3A_29 = tpu.memref_slice %arg7[%mul3A_28, %dma_start3A] : memref<80x128xi32, #tpu.memory_space<vmem>> -> memref<1x128xi32, #tpu.memory_space<vmem>>
      %dma_start3A_30 = tpu.memref_squeeze %dma_start3A_29 : memref<1x128xi32, #tpu.memory_space<vmem>> -> memref<128xi32, #tpu.memory_space<vmem>>
      %dma_start3A_31 = arith.constant 0 : i32
      %dma_start3A_32 = arith.constant 0 : i32
      %dma_start3A_33 = tpu.memref_slice %arg6[%dma_start3A_31, %dma_start3A_32] : memref<10240x128xf32, #tpu.memory_space<vmem_shared>> -> memref<10240x128xf32, #tpu.memory_space<vmem_shared>>
      tpu.enqueue_indirect_dma source(%arg8 : memref<128x128xf32, #tpu.memory_space<vmem>>) target(%dma_start3A_33 : memref<10240x128xf32, #tpu.memory_space<vmem_shared>>) offsets(%dma_start3A_30 : memref<128xi32, #tpu.memory_space<vmem>>) semaphore(%arg9 : memref<!tpu.dma_semaphore, #tpu.memory_space<semaphore_mem>>) {add = true}
      %mul3A_34 = arith.constant 2 : i32
      %mul3A_35 = arith.muli %mul3A_34, %scan3A_24 : i32
      %add3A_36 = arith.constant 1 : i32
      %add3A_37 = arith.addi %mul3A_35, %add3A_36 : i32
      %dma_start3A_38 = arith.constant 0 : i32
      %dma_start3A_39 = tpu.memref_slice %arg7[%add3A_37, %dma_start3A_38] : memref<80x128xi32, #tpu.memory_space<vmem>> -> memref<1x128xi32, #tpu.memory_space<vmem>>
      %dma_start3A_40 = tpu.memref_squeeze %dma_start3A_39 : memref<1x128xi32, #tpu.memory_space<vmem>> -> memref<128xi32, #tpu.memory_space<vmem>>
      %dma_start3A_41 = arith.constant 0 : i32
      %dma_start3A_42 = arith.constant 0 : i32
      %dma_start3A_43 = tpu.memref_slice %arg6[%dma_start3A_41, %dma_start3A_42] : memref<10240x128xf32, #tpu.memory_space<vmem_shared>> -> memref<10240x128xf32, #tpu.memory_space<vmem_shared>>
      tpu.enqueue_indirect_dma source(%arg8 : memref<128x128xf32, #tpu.memory_space<vmem>>) target(%dma_start3A_43 : memref<10240x128xf32, #tpu.memory_space<vmem_shared>>) offsets(%dma_start3A_40 : memref<128xi32, #tpu.memory_space<vmem>>) semaphore(%arg10 : memref<!tpu.dma_semaphore, #tpu.memory_space<semaphore_mem>>) {add = true}
    }
    %scan3A_9 = arith.constant 40 : i32
    %dma_wait3A = arith.constant 0 : i32
    %dma_wait3A_10 = arith.constant 0 : i32
    %dma_wait3A_11 = tpu.memref_slice %arg7[%dma_wait3A, %dma_wait3A_10] : memref<80x128xi32, #tpu.memory_space<vmem>> -> memref<1x128xi32, #tpu.memory_space<vmem>>
    %dma_wait3A_12 = tpu.memref_squeeze %dma_wait3A_11 : memref<1x128xi32, #tpu.memory_space<vmem>> -> memref<128xi32, #tpu.memory_space<vmem>>
    %dma_wait3A_13 = arith.constant 0 : i32
    %dma_wait3A_14 = arith.constant 0 : i32
    %dma_wait3A_15 = tpu.memref_slice %arg6[%dma_wait3A_13, %dma_wait3A_14] : memref<10240x128xf32, #tpu.memory_space<vmem_shared>> -> memref<10240x128xf32, #tpu.memory_space<vmem_shared>>
    tpu.wait_indirect_dma semaphore(%arg9 : memref<!tpu.dma_semaphore, #tpu.memory_space<semaphore_mem>>) src(%arg8 : memref<128x128xf32, #tpu.memory_space<vmem>>) dst(%dma_wait3A_15 : memref<10240x128xf32, #tpu.memory_space<vmem_shared>>)
    %dma_wait3A_16 = arith.constant 0 : i32
    %dma_wait3A_17 = arith.constant 0 : i32
    %dma_wait3A_18 = tpu.memref_slice %arg7[%dma_wait3A_16, %dma_wait3A_17] : memref<80x128xi32, #tpu.memory_space<vmem>> -> memref<1x128xi32, #tpu.memory_space<vmem>>
    %dma_wait3A_19 = tpu.memref_squeeze %dma_wait3A_18 : memref<1x128xi32, #tpu.memory_space<vmem>> -> memref<128xi32, #tpu.memory_space<vmem>>
    %dma_wait3A_20 = arith.constant 0 : i32
    %dma_wait3A_21 = arith.constant 0 : i32
    %dma_wait3A_22 = tpu.memref_slice %arg6[%dma_wait3A_20, %dma_wait3A_21] : memref<10240x128xf32, #tpu.memory_space<vmem_shared>> -> memref<10240x128xf32, #tpu.memory_space<vmem_shared>>
    tpu.wait_indirect_dma semaphore(%arg10 : memref<!tpu.dma_semaphore, #tpu.memory_space<semaphore_mem>>) src(%arg8 : memref<128x128xf32, #tpu.memory_space<vmem>>) dst(%dma_wait3A_22 : memref<10240x128xf32, #tpu.memory_space<vmem_shared>>)
    %barrier3A_23 = arith.constant 0 : index
    tpu.barrier barrier_id(%barrier3A_23)
    "tpu.region"() ({
      %run_scoped3A = tpu.sem_alloc : memref<!tpu.dma_semaphore, #tpu.memory_space<semaphore_mem>>
      %dma_start3A = arith.constant 0 : i32
      %dma_start3A_24 = tpu.memref_slice %arg5[%arg0, %mul3A_0, %dma_start3A] : memref<2x10240x128xf32, #tpu.memory_space<hbm>> -> memref<1x640x128xf32, #tpu.memory_space<hbm>>
      %dma_start3A_25 = tpu.memref_squeeze %dma_start3A_24 : memref<1x640x128xf32, #tpu.memory_space<hbm>> -> memref<640x128xf32, #tpu.memory_space<hbm>>
      %dma_start3A_26 = arith.constant 0 : i32
      %dma_start3A_27 = tpu.memref_slice %arg6[%mul3A_0, %dma_start3A_26] : memref<10240x128xf32, #tpu.memory_space<vmem_shared>> -> memref<640x128xf32, #tpu.memory_space<vmem_shared>>
      tpu.enqueue_dma source(%dma_start3A_27 : memref<640x128xf32, #tpu.memory_space<vmem_shared>>) target(%dma_start3A_25 : memref<640x128xf32, #tpu.memory_space<hbm>>) target_semaphore(%run_scoped3A : memref<!tpu.dma_semaphore, #tpu.memory_space<semaphore_mem>>)
      %dma_wait3A_28 = arith.constant 0 : i32
      %dma_wait3A_29 = tpu.memref_slice %arg5[%arg0, %mul3A_0, %dma_wait3A_28] : memref<2x10240x128xf32, #tpu.memory_space<hbm>> -> memref<1x640x128xf32, #tpu.memory_space<hbm>>
      %dma_wait3A_30 = tpu.memref_squeeze %dma_wait3A_29 : memref<1x640x128xf32, #tpu.memory_space<hbm>> -> memref<640x128xf32, #tpu.memory_space<hbm>>
      %dma_wait3A_31 = arith.constant 0 : i32
      %dma_wait3A_32 = tpu.memref_slice %arg6[%mul3A_0, %dma_wait3A_31] : memref<10240x128xf32, #tpu.memory_space<vmem_shared>> -> memref<640x128xf32, #tpu.memory_space<vmem_shared>>
      tpu.wait_dma2 semaphore(%run_scoped3A : memref<!tpu.dma_semaphore, #tpu.memory_space<semaphore_mem>>) src(%dma_wait3A_32 : memref<640x128xf32, #tpu.memory_space<vmem_shared>>) dst(%dma_wait3A_30 : memref<640x128xf32, #tpu.memory_space<hbm>>)
      tpu.yield
    }) : () -> ()
    return
  }
}

#map = affine_map<(d0, d1) -> (0, 0)>
#map1 = affine_map<(d0, d1) -> (0, 0, 0)>
module attributes {stable_mosaic.version = 14 : i64} {
  func.func @_spmm_body(%arg0: i32, %arg1: i32, %arg2: memref<10240x128xf32, #tpu.memory_space<hbm>>, %arg3: memref<2560x128xi32, #tpu.memory_space<hbm>>, %arg4: memref<2560x128xi32, #tpu.memory_space<hbm>>, %arg5: memref<2x10240x128xf32, #tpu.memory_space<hbm>>, %arg6: memref<10240x128xf32, #tpu.memory_space<vmem_shared>>, %arg7: memref<40x128xi32, #tpu.memory_space<vmem>>, %arg8: memref<40x128xi32, #tpu.memory_space<vmem>>, %arg9: memref<128x128xf32, #tpu.memory_space<vmem>>, %arg10: memref<128x128xf32, #tpu.memory_space<vmem>>, %arg11: memref<!tpu.dma_semaphore, #tpu.memory_space<semaphore_mem>>, %arg12: memref<!tpu.dma_semaphore, #tpu.memory_space<semaphore_mem>>) attributes {dimension_semantics = [#tpu.dimension_semantics<core_parallel>, #tpu.dimension_semantics<subcore_parallel>], iteration_bounds = array<i64: 2, 16>, scalar_prefetch = 0 : i64, scratch_operands = 7 : i64, tpu.core_type = #tpu.core_type<sc_vector_subcore>, window_params = [{transform_indices = #map}, {transform_indices = #map}, {transform_indices = #map}, {transform_indices = #map1}]} {
    %mul3A = arith.constant 640 : i32
    %mul3A_0 = arith.muli %arg1, %mul3A : i32
    %mul3A_1 = arith.constant 16 : i32
    %mul3A_2 = arith.muli %arg0, %mul3A_1 : i32
    %add3A = arith.addi %mul3A_2, %arg1 : i32
    %mul3A_3 = arith.constant 80 : i32
    %mul3A_4 = arith.muli %add3A, %mul3A_3 : i32
    "tpu.region"() ({
      %run_scoped3A = tpu.sem_alloc : memref<!tpu.dma_semaphore, #tpu.memory_space<semaphore_mem>>
      %dma_start3A = arith.constant 0 : i32
      %dma_start3A_11 = tpu.memref_slice %arg6[%mul3A_0, %dma_start3A] : memref<10240x128xf32, #tpu.memory_space<vmem_shared>> -> memref<640x128xf32, #tpu.memory_space<vmem_shared>>
      %dma_start3A_12 = arith.constant 0 : i32
      %dma_start3A_13 = tpu.memref_slice %arg2[%mul3A_0, %dma_start3A_12] : memref<10240x128xf32, #tpu.memory_space<hbm>> -> memref<640x128xf32, #tpu.memory_space<hbm>>
      tpu.enqueue_dma source(%dma_start3A_13 : memref<640x128xf32, #tpu.memory_space<hbm>>) target(%dma_start3A_11 : memref<640x128xf32, #tpu.memory_space<vmem_shared>>) target_semaphore(%run_scoped3A : memref<!tpu.dma_semaphore, #tpu.memory_space<semaphore_mem>>)
      %dma_wait3A = arith.constant 0 : i32
      %dma_wait3A_14 = tpu.memref_slice %arg6[%mul3A_0, %dma_wait3A] : memref<10240x128xf32, #tpu.memory_space<vmem_shared>> -> memref<640x128xf32, #tpu.memory_space<vmem_shared>>
      %dma_wait3A_15 = arith.constant 0 : i32
      %dma_wait3A_16 = tpu.memref_slice %arg2[%mul3A_0, %dma_wait3A_15] : memref<10240x128xf32, #tpu.memory_space<hbm>> -> memref<640x128xf32, #tpu.memory_space<hbm>>
      tpu.wait_dma2 semaphore(%run_scoped3A : memref<!tpu.dma_semaphore, #tpu.memory_space<semaphore_mem>>) src(%dma_wait3A_16 : memref<640x128xf32, #tpu.memory_space<hbm>>) dst(%dma_wait3A_14 : memref<640x128xf32, #tpu.memory_space<vmem_shared>>)
      tpu.yield
    }) : () -> ()
    %barrier3A = arith.constant 0 : index
    tpu.barrier barrier_id(%barrier3A)
    %scan3A = arith.constant 0 : i32
    %scan3A_5 = arith.constant 0 : i32
    %scan3A_6 = arith.constant 2 : i32
    %scan3A_7 = arith.addi %scan3A_5, %scan3A_6 : i32
    %scan3A_8 = arith.constant 1 : i32
    scf.for %scan3A_11 = %scan3A_5 to %scan3A_7 step %scan3A_8  : i32 {
      %mul3A_12 = arith.constant 40 : i32
      %mul3A_13 = arith.muli %scan3A_11, %mul3A_12 : i32
      %add3A_14 = arith.addi %mul3A_4, %mul3A_13 : i32
      "tpu.region"() ({
        %run_scoped3A = tpu.sem_alloc : memref<!tpu.dma_semaphore, #tpu.memory_space<semaphore_mem>>
        %dma_start3A_27 = arith.constant 0 : i32
        %dma_start3A_28 = tpu.memref_slice %arg3[%add3A_14, %dma_start3A_27] : memref<2560x128xi32, #tpu.memory_space<hbm>> -> memref<40x128xi32, #tpu.memory_space<hbm>>
        %dma_start3A_29 = arith.constant 0 : i32
        %dma_start3A_30 = tpu.memref_slice %arg3[%add3A_14, %dma_start3A_29] : memref<2560x128xi32, #tpu.memory_space<hbm>> -> memref<40x128xi32, #tpu.memory_space<hbm>>
        tpu.enqueue_dma source(%dma_start3A_30 : memref<40x128xi32, #tpu.memory_space<hbm>>) target(%arg7 : memref<40x128xi32, #tpu.memory_space<vmem>>) target_semaphore(%run_scoped3A : memref<!tpu.dma_semaphore, #tpu.memory_space<semaphore_mem>>)
        %dma_wait3A = arith.constant 0 : i32
        %dma_wait3A_31 = tpu.memref_slice %arg3[%add3A_14, %dma_wait3A] : memref<2560x128xi32, #tpu.memory_space<hbm>> -> memref<40x128xi32, #tpu.memory_space<hbm>>
        %dma_wait3A_32 = arith.constant 0 : i32
        %dma_wait3A_33 = tpu.memref_slice %arg3[%add3A_14, %dma_wait3A_32] : memref<2560x128xi32, #tpu.memory_space<hbm>> -> memref<40x128xi32, #tpu.memory_space<hbm>>
        tpu.wait_dma2 semaphore(%run_scoped3A : memref<!tpu.dma_semaphore, #tpu.memory_space<semaphore_mem>>) src(%dma_wait3A_33 : memref<40x128xi32, #tpu.memory_space<hbm>>) dst(%arg7 : memref<40x128xi32, #tpu.memory_space<vmem>>)
        tpu.yield
      }) : () -> ()
      "tpu.region"() ({
        %run_scoped3A = tpu.sem_alloc : memref<!tpu.dma_semaphore, #tpu.memory_space<semaphore_mem>>
        %dma_start3A_27 = arith.constant 0 : i32
        %dma_start3A_28 = tpu.memref_slice %arg4[%add3A_14, %dma_start3A_27] : memref<2560x128xi32, #tpu.memory_space<hbm>> -> memref<40x128xi32, #tpu.memory_space<hbm>>
        %dma_start3A_29 = arith.constant 0 : i32
        %dma_start3A_30 = tpu.memref_slice %arg4[%add3A_14, %dma_start3A_29] : memref<2560x128xi32, #tpu.memory_space<hbm>> -> memref<40x128xi32, #tpu.memory_space<hbm>>
        tpu.enqueue_dma source(%dma_start3A_30 : memref<40x128xi32, #tpu.memory_space<hbm>>) target(%arg8 : memref<40x128xi32, #tpu.memory_space<vmem>>) target_semaphore(%run_scoped3A : memref<!tpu.dma_semaphore, #tpu.memory_space<semaphore_mem>>)
        %dma_wait3A = arith.constant 0 : i32
        %dma_wait3A_31 = tpu.memref_slice %arg4[%add3A_14, %dma_wait3A] : memref<2560x128xi32, #tpu.memory_space<hbm>> -> memref<40x128xi32, #tpu.memory_space<hbm>>
        %dma_wait3A_32 = arith.constant 0 : i32
        %dma_wait3A_33 = tpu.memref_slice %arg4[%add3A_14, %dma_wait3A_32] : memref<2560x128xi32, #tpu.memory_space<hbm>> -> memref<40x128xi32, #tpu.memory_space<hbm>>
        tpu.wait_dma2 semaphore(%run_scoped3A : memref<!tpu.dma_semaphore, #tpu.memory_space<semaphore_mem>>) src(%dma_wait3A_33 : memref<40x128xi32, #tpu.memory_space<hbm>>) dst(%arg8 : memref<40x128xi32, #tpu.memory_space<vmem>>)
        tpu.yield
      }) : () -> ()
      %dma_start3A = arith.constant 0 : i32
      %dma_start3A_15 = arith.constant 0 : i32
      %dma_start3A_16 = tpu.memref_slice %arg7[%dma_start3A, %dma_start3A_15] : memref<40x128xi32, #tpu.memory_space<vmem>> -> memref<1x128xi32, #tpu.memory_space<vmem>>
      %dma_start3A_17 = tpu.memref_squeeze %dma_start3A_16 : memref<1x128xi32, #tpu.memory_space<vmem>> -> memref<128xi32, #tpu.memory_space<vmem>>
      %dma_start3A_18 = arith.constant 0 : i32
      %dma_start3A_19 = arith.constant 0 : i32
      %dma_start3A_20 = tpu.memref_slice %arg2[%dma_start3A_18, %dma_start3A_19] : memref<10240x128xf32, #tpu.memory_space<hbm>> -> memref<10240x128xf32, #tpu.memory_space<hbm>>
      tpu.enqueue_indirect_dma source(%dma_start3A_20 : memref<10240x128xf32, #tpu.memory_space<hbm>>) target(%arg9 : memref<128x128xf32, #tpu.memory_space<vmem>>) offsets(%dma_start3A_17 : memref<128xi32, #tpu.memory_space<vmem>>) semaphore(%arg11 : memref<!tpu.dma_semaphore, #tpu.memory_space<semaphore_mem>>)
      %scan3A_21 = arith.constant 0 : i32
      %scan3A_22 = arith.constant 0 : i32
      %scan3A_23 = arith.constant 20 : i32
      %scan3A_24 = arith.addi %scan3A_22, %scan3A_23 : i32
      %scan3A_25 = arith.constant 1 : i32
      scf.for %scan3A_27 = %scan3A_22 to %scan3A_24 step %scan3A_25  : i32 {
        %mul3A_28 = arith.constant 2 : i32
        %mul3A_29 = arith.muli %mul3A_28, %scan3A_27 : i32
        %add3A_30 = arith.constant 1 : i32
        %add3A_31 = arith.addi %mul3A_29, %add3A_30 : i32
        %dma_start3A_32 = arith.constant 0 : i32
        %dma_start3A_33 = tpu.memref_slice %arg7[%add3A_31, %dma_start3A_32] : memref<40x128xi32, #tpu.memory_space<vmem>> -> memref<1x128xi32, #tpu.memory_space<vmem>>
        %dma_start3A_34 = tpu.memref_squeeze %dma_start3A_33 : memref<1x128xi32, #tpu.memory_space<vmem>> -> memref<128xi32, #tpu.memory_space<vmem>>
        %dma_start3A_35 = arith.constant 0 : i32
        %dma_start3A_36 = arith.constant 0 : i32
        %dma_start3A_37 = tpu.memref_slice %arg2[%dma_start3A_35, %dma_start3A_36] : memref<10240x128xf32, #tpu.memory_space<hbm>> -> memref<10240x128xf32, #tpu.memory_space<hbm>>
        tpu.enqueue_indirect_dma source(%dma_start3A_37 : memref<10240x128xf32, #tpu.memory_space<hbm>>) target(%arg10 : memref<128x128xf32, #tpu.memory_space<vmem>>) offsets(%dma_start3A_34 : memref<128xi32, #tpu.memory_space<vmem>>) semaphore(%arg12 : memref<!tpu.dma_semaphore, #tpu.memory_space<semaphore_mem>>)
        %dma_wait3A = arith.constant 0 : i32
        %dma_wait3A_38 = tpu.memref_slice %arg7[%mul3A_29, %dma_wait3A] : memref<40x128xi32, #tpu.memory_space<vmem>> -> memref<1x128xi32, #tpu.memory_space<vmem>>
        %dma_wait3A_39 = tpu.memref_squeeze %dma_wait3A_38 : memref<1x128xi32, #tpu.memory_space<vmem>> -> memref<128xi32, #tpu.memory_space<vmem>>
        %dma_wait3A_40 = arith.constant 0 : i32
        %dma_wait3A_41 = arith.constant 0 : i32
        %dma_wait3A_42 = tpu.memref_slice %arg2[%dma_wait3A_40, %dma_wait3A_41] : memref<10240x128xf32, #tpu.memory_space<hbm>> -> memref<10240x128xf32, #tpu.memory_space<hbm>>
        tpu.wait_indirect_dma semaphore(%arg11 : memref<!tpu.dma_semaphore, #tpu.memory_space<semaphore_mem>>) src(%dma_wait3A_42 : memref<10240x128xf32, #tpu.memory_space<hbm>>) dst(%arg9 : memref<128x128xf32, #tpu.memory_space<vmem>>)
        "tpu.region"() ({
          %run_scoped3A = tpu.sem_alloc : memref<!tpu.dma_semaphore, #tpu.memory_space<semaphore_mem>>
          %dma_start3A_57 = arith.constant 0 : i32
          %dma_start3A_58 = tpu.memref_slice %arg8[%mul3A_29, %dma_start3A_57] : memref<40x128xi32, #tpu.memory_space<vmem>> -> memref<1x128xi32, #tpu.memory_space<vmem>>
          %dma_start3A_59 = tpu.memref_squeeze %dma_start3A_58 : memref<1x128xi32, #tpu.memory_space<vmem>> -> memref<128xi32, #tpu.memory_space<vmem>>
          %dma_start3A_60 = arith.constant 0 : i32
          %dma_start3A_61 = arith.constant 0 : i32
          %dma_start3A_62 = tpu.memref_slice %arg6[%dma_start3A_60, %dma_start3A_61] : memref<10240x128xf32, #tpu.memory_space<vmem_shared>> -> memref<10240x128xf32, #tpu.memory_space<vmem_shared>>
          tpu.enqueue_indirect_dma source(%arg9 : memref<128x128xf32, #tpu.memory_space<vmem>>) target(%dma_start3A_62 : memref<10240x128xf32, #tpu.memory_space<vmem_shared>>) offsets(%dma_start3A_59 : memref<128xi32, #tpu.memory_space<vmem>>) semaphore(%run_scoped3A : memref<!tpu.dma_semaphore, #tpu.memory_space<semaphore_mem>>) {add = true}
          %dma_wait3A_63 = arith.constant 0 : i32
          %dma_wait3A_64 = tpu.memref_slice %arg8[%mul3A_29, %dma_wait3A_63] : memref<40x128xi32, #tpu.memory_space<vmem>> -> memref<1x128xi32, #tpu.memory_space<vmem>>
          %dma_wait3A_65 = tpu.memref_squeeze %dma_wait3A_64 : memref<1x128xi32, #tpu.memory_space<vmem>> -> memref<128xi32, #tpu.memory_space<vmem>>
          %dma_wait3A_66 = arith.constant 0 : i32
          %dma_wait3A_67 = arith.constant 0 : i32
          %dma_wait3A_68 = tpu.memref_slice %arg6[%dma_wait3A_66, %dma_wait3A_67] : memref<10240x128xf32, #tpu.memory_space<vmem_shared>> -> memref<10240x128xf32, #tpu.memory_space<vmem_shared>>
          tpu.wait_indirect_dma semaphore(%run_scoped3A : memref<!tpu.dma_semaphore, #tpu.memory_space<semaphore_mem>>) src(%arg9 : memref<128x128xf32, #tpu.memory_space<vmem>>) dst(%dma_wait3A_68 : memref<10240x128xf32, #tpu.memory_space<vmem_shared>>)
          tpu.yield
        }) : () -> ()
        %add3A_43 = arith.constant 2 : i32
        %add3A_44 = arith.addi %mul3A_29, %add3A_43 : i32
        %lt3A = arith.constant 40 : i32
        %lt3A_45 = arith.cmpi slt, %add3A_44, %lt3A : i32
        %convert_element_type3A = arith.extui %lt3A_45 : i1 to i32
        %cond3A = arith.constant 0 : i32
        %cond3A_46 = arith.cmpi ne, %convert_element_type3A, %cond3A : i32
        scf.if %cond3A_46 {
          %add3A_57 = arith.constant 2 : i32
          %add3A_58 = arith.addi %mul3A_29, %add3A_57 : i32
          %dma_start3A_59 = arith.constant 0 : i32
          %dma_start3A_60 = tpu.memref_slice %arg7[%add3A_58, %dma_start3A_59] : memref<40x128xi32, #tpu.memory_space<vmem>> -> memref<1x128xi32, #tpu.memory_space<vmem>>
          %dma_start3A_61 = tpu.memref_squeeze %dma_start3A_60 : memref<1x128xi32, #tpu.memory_space<vmem>> -> memref<128xi32, #tpu.memory_space<vmem>>
          %dma_start3A_62 = arith.constant 0 : i32
          %dma_start3A_63 = arith.constant 0 : i32
          %dma_start3A_64 = tpu.memref_slice %arg2[%dma_start3A_62, %dma_start3A_63] : memref<10240x128xf32, #tpu.memory_space<hbm>> -> memref<10240x128xf32, #tpu.memory_space<hbm>>
          tpu.enqueue_indirect_dma source(%dma_start3A_64 : memref<10240x128xf32, #tpu.memory_space<hbm>>) target(%arg9 : memref<128x128xf32, #tpu.memory_space<vmem>>) offsets(%dma_start3A_61 : memref<128xi32, #tpu.memory_space<vmem>>) semaphore(%arg11 : memref<!tpu.dma_semaphore, #tpu.memory_space<semaphore_mem>>)
        } else {
        }
        %add3A_47 = arith.constant 1 : i32
        %add3A_48 = arith.addi %mul3A_29, %add3A_47 : i32
        %dma_wait3A_49 = arith.constant 0 : i32
        %dma_wait3A_50 = tpu.memref_slice %arg7[%add3A_48, %dma_wait3A_49] : memref<40x128xi32, #tpu.memory_space<vmem>> -> memref<1x128xi32, #tpu.memory_space<vmem>>
        %dma_wait3A_51 = tpu.memref_squeeze %dma_wait3A_50 : memref<1x128xi32, #tpu.memory_space<vmem>> -> memref<128xi32, #tpu.memory_space<vmem>>
        %dma_wait3A_52 = arith.constant 0 : i32
        %dma_wait3A_53 = arith.constant 0 : i32
        %dma_wait3A_54 = tpu.memref_slice %arg2[%dma_wait3A_52, %dma_wait3A_53] : memref<10240x128xf32, #tpu.memory_space<hbm>> -> memref<10240x128xf32, #tpu.memory_space<hbm>>
        tpu.wait_indirect_dma semaphore(%arg12 : memref<!tpu.dma_semaphore, #tpu.memory_space<semaphore_mem>>) src(%dma_wait3A_54 : memref<10240x128xf32, #tpu.memory_space<hbm>>) dst(%arg10 : memref<128x128xf32, #tpu.memory_space<vmem>>)
        %add3A_55 = arith.constant 1 : i32
        %add3A_56 = arith.addi %mul3A_29, %add3A_55 : i32
        "tpu.region"() ({
          %run_scoped3A = tpu.sem_alloc : memref<!tpu.dma_semaphore, #tpu.memory_space<semaphore_mem>>
          %dma_start3A_57 = arith.constant 0 : i32
          %dma_start3A_58 = tpu.memref_slice %arg8[%add3A_56, %dma_start3A_57] : memref<40x128xi32, #tpu.memory_space<vmem>> -> memref<1x128xi32, #tpu.memory_space<vmem>>
          %dma_start3A_59 = tpu.memref_squeeze %dma_start3A_58 : memref<1x128xi32, #tpu.memory_space<vmem>> -> memref<128xi32, #tpu.memory_space<vmem>>
          %dma_start3A_60 = arith.constant 0 : i32
          %dma_start3A_61 = arith.constant 0 : i32
          %dma_start3A_62 = tpu.memref_slice %arg6[%dma_start3A_60, %dma_start3A_61] : memref<10240x128xf32, #tpu.memory_space<vmem_shared>> -> memref<10240x128xf32, #tpu.memory_space<vmem_shared>>
          tpu.enqueue_indirect_dma source(%arg10 : memref<128x128xf32, #tpu.memory_space<vmem>>) target(%dma_start3A_62 : memref<10240x128xf32, #tpu.memory_space<vmem_shared>>) offsets(%dma_start3A_59 : memref<128xi32, #tpu.memory_space<vmem>>) semaphore(%run_scoped3A : memref<!tpu.dma_semaphore, #tpu.memory_space<semaphore_mem>>) {add = true}
          %dma_wait3A_63 = arith.constant 0 : i32
          %dma_wait3A_64 = tpu.memref_slice %arg8[%add3A_56, %dma_wait3A_63] : memref<40x128xi32, #tpu.memory_space<vmem>> -> memref<1x128xi32, #tpu.memory_space<vmem>>
          %dma_wait3A_65 = tpu.memref_squeeze %dma_wait3A_64 : memref<1x128xi32, #tpu.memory_space<vmem>> -> memref<128xi32, #tpu.memory_space<vmem>>
          %dma_wait3A_66 = arith.constant 0 : i32
          %dma_wait3A_67 = arith.constant 0 : i32
          %dma_wait3A_68 = tpu.memref_slice %arg6[%dma_wait3A_66, %dma_wait3A_67] : memref<10240x128xf32, #tpu.memory_space<vmem_shared>> -> memref<10240x128xf32, #tpu.memory_space<vmem_shared>>
          tpu.wait_indirect_dma semaphore(%run_scoped3A : memref<!tpu.dma_semaphore, #tpu.memory_space<semaphore_mem>>) src(%arg10 : memref<128x128xf32, #tpu.memory_space<vmem>>) dst(%dma_wait3A_68 : memref<10240x128xf32, #tpu.memory_space<vmem_shared>>)
          tpu.yield
        }) : () -> ()
      }
      %scan3A_26 = arith.constant 20 : i32
    }
    %scan3A_9 = arith.constant 2 : i32
    %barrier3A_10 = arith.constant 0 : index
    tpu.barrier barrier_id(%barrier3A_10)
    "tpu.region"() ({
      %run_scoped3A = tpu.sem_alloc : memref<!tpu.dma_semaphore, #tpu.memory_space<semaphore_mem>>
      %dma_start3A = arith.constant 0 : i32
      %dma_start3A_11 = tpu.memref_slice %arg5[%arg0, %mul3A_0, %dma_start3A] : memref<2x10240x128xf32, #tpu.memory_space<hbm>> -> memref<1x640x128xf32, #tpu.memory_space<hbm>>
      %dma_start3A_12 = tpu.memref_squeeze %dma_start3A_11 : memref<1x640x128xf32, #tpu.memory_space<hbm>> -> memref<640x128xf32, #tpu.memory_space<hbm>>
      %dma_start3A_13 = arith.constant 0 : i32
      %dma_start3A_14 = tpu.memref_slice %arg6[%mul3A_0, %dma_start3A_13] : memref<10240x128xf32, #tpu.memory_space<vmem_shared>> -> memref<640x128xf32, #tpu.memory_space<vmem_shared>>
      tpu.enqueue_dma source(%dma_start3A_14 : memref<640x128xf32, #tpu.memory_space<vmem_shared>>) target(%dma_start3A_12 : memref<640x128xf32, #tpu.memory_space<hbm>>) target_semaphore(%run_scoped3A : memref<!tpu.dma_semaphore, #tpu.memory_space<semaphore_mem>>)
      %dma_wait3A = arith.constant 0 : i32
      %dma_wait3A_15 = tpu.memref_slice %arg5[%arg0, %mul3A_0, %dma_wait3A] : memref<2x10240x128xf32, #tpu.memory_space<hbm>> -> memref<1x640x128xf32, #tpu.memory_space<hbm>>
      %dma_wait3A_16 = tpu.memref_squeeze %dma_wait3A_15 : memref<1x640x128xf32, #tpu.memory_space<hbm>> -> memref<640x128xf32, #tpu.memory_space<hbm>>
      %dma_wait3A_17 = arith.constant 0 : i32
      %dma_wait3A_18 = tpu.memref_slice %arg6[%mul3A_0, %dma_wait3A_17] : memref<10240x128xf32, #tpu.memory_space<vmem_shared>> -> memref<640x128xf32, #tpu.memory_space<vmem_shared>>
      tpu.wait_dma2 semaphore(%run_scoped3A : memref<!tpu.dma_semaphore, #tpu.memory_space<semaphore_mem>>) src(%dma_wait3A_18 : memref<640x128xf32, #tpu.memory_space<vmem_shared>>) dst(%dma_wait3A_16 : memref<640x128xf32, #tpu.memory_space<hbm>>)
      tpu.yield
    }) : () -> ()
    return
  }
}

#map = affine_map<(d0, d1) -> (0, 0, 0)>
#map1 = affine_map<(d0, d1) -> (0, 0)>
module attributes {stable_mosaic.version = 14 : i64} {
  func.func @_spmm_body(%arg0: i32, %arg1: i32, %arg2: memref<2x10240x128xf32, #tpu.memory_space<hbm>>, %arg3: memref<2560x128xi32, #tpu.memory_space<hbm>>, %arg4: memref<2560x128xi32, #tpu.memory_space<hbm>>, %arg5: memref<2x10240x128xf32, #tpu.memory_space<hbm>>, %arg6: memref<10240x128xf32, #tpu.memory_space<vmem_shared>>, %arg7: memref<40x128xi32, #tpu.memory_space<vmem>>, %arg8: memref<40x128xi32, #tpu.memory_space<vmem>>, %arg9: memref<128x128xf32, #tpu.memory_space<vmem>>, %arg10: memref<128x128xf32, #tpu.memory_space<vmem>>, %arg11: memref<!tpu.dma_semaphore, #tpu.memory_space<semaphore_mem>>, %arg12: memref<!tpu.dma_semaphore, #tpu.memory_space<semaphore_mem>>) attributes {dimension_semantics = [#tpu.dimension_semantics<core_parallel>, #tpu.dimension_semantics<subcore_parallel>], iteration_bounds = array<i64: 2, 16>, scalar_prefetch = 0 : i64, scratch_operands = 7 : i64, tpu.core_type = #tpu.core_type<sc_vector_subcore>, window_params = [{transform_indices = #map}, {transform_indices = #map1}, {transform_indices = #map1}, {transform_indices = #map}]} {
    %mul3A = arith.constant 640 : i32
    %mul3A_0 = arith.muli %arg1, %mul3A : i32
    %mul3A_1 = arith.constant 160 : i32
    %mul3A_2 = arith.muli %arg1, %mul3A_1 : i32
    "tpu.region"() ({
      %run_scoped3A = tpu.sem_alloc : memref<!tpu.dma_semaphore, #tpu.memory_space<semaphore_mem>>
      %dma_start3A = arith.constant 0 : i32
      %dma_start3A_9 = tpu.memref_slice %arg6[%mul3A_0, %dma_start3A] : memref<10240x128xf32, #tpu.memory_space<vmem_shared>> -> memref<640x128xf32, #tpu.memory_space<vmem_shared>>
      %dma_start3A_10 = arith.constant 0 : i32
      %dma_start3A_11 = arith.constant 0 : i32
      %dma_start3A_12 = tpu.memref_slice %arg2[%arg0, %dma_start3A_10, %dma_start3A_11] : memref<2x10240x128xf32, #tpu.memory_space<hbm>> -> memref<1x10240x128xf32, #tpu.memory_space<hbm>>
      %dma_start3A_13 = tpu.memref_squeeze %dma_start3A_12 : memref<1x10240x128xf32, #tpu.memory_space<hbm>> -> memref<10240x128xf32, #tpu.memory_space<hbm>>
      %dma_start3A_14 = arith.constant 0 : i32
      %dma_start3A_15 = tpu.memref_slice %dma_start3A_13[%mul3A_0, %dma_start3A_14] : memref<10240x128xf32, #tpu.memory_space<hbm>> -> memref<640x128xf32, #tpu.memory_space<hbm>>
      tpu.enqueue_dma source(%dma_start3A_15 : memref<640x128xf32, #tpu.memory_space<hbm>>) target(%dma_start3A_9 : memref<640x128xf32, #tpu.memory_space<vmem_shared>>) target_semaphore(%run_scoped3A : memref<!tpu.dma_semaphore, #tpu.memory_space<semaphore_mem>>)
      %dma_wait3A = arith.constant 0 : i32
      %dma_wait3A_16 = tpu.memref_slice %arg6[%mul3A_0, %dma_wait3A] : memref<10240x128xf32, #tpu.memory_space<vmem_shared>> -> memref<640x128xf32, #tpu.memory_space<vmem_shared>>
      %dma_wait3A_17 = arith.constant 0 : i32
      %dma_wait3A_18 = arith.constant 0 : i32
      %dma_wait3A_19 = tpu.memref_slice %arg2[%arg0, %dma_wait3A_17, %dma_wait3A_18] : memref<2x10240x128xf32, #tpu.memory_space<hbm>> -> memref<1x10240x128xf32, #tpu.memory_space<hbm>>
      %dma_wait3A_20 = tpu.memref_squeeze %dma_wait3A_19 : memref<1x10240x128xf32, #tpu.memory_space<hbm>> -> memref<10240x128xf32, #tpu.memory_space<hbm>>
      %dma_wait3A_21 = arith.constant 0 : i32
      %dma_wait3A_22 = tpu.memref_slice %dma_wait3A_20[%mul3A_0, %dma_wait3A_21] : memref<10240x128xf32, #tpu.memory_space<hbm>> -> memref<640x128xf32, #tpu.memory_space<hbm>>
      tpu.wait_dma2 semaphore(%run_scoped3A : memref<!tpu.dma_semaphore, #tpu.memory_space<semaphore_mem>>) src(%dma_wait3A_22 : memref<640x128xf32, #tpu.memory_space<hbm>>) dst(%dma_wait3A_16 : memref<640x128xf32, #tpu.memory_space<vmem_shared>>)
      tpu.yield
    }) : () -> ()
    %barrier3A = arith.constant 0 : index
    tpu.barrier barrier_id(%barrier3A)
    %scan3A = arith.constant 0 : i32
    %scan3A_3 = arith.constant 0 : i32
    %scan3A_4 = arith.constant 4 : i32
    %scan3A_5 = arith.addi %scan3A_3, %scan3A_4 : i32
    %scan3A_6 = arith.constant 1 : i32
    scf.for %scan3A_9 = %scan3A_3 to %scan3A_5 step %scan3A_6  : i32 {
      %mul3A_10 = arith.constant 40 : i32
      %mul3A_11 = arith.muli %scan3A_9, %mul3A_10 : i32
      %add3A = arith.addi %mul3A_2, %mul3A_11 : i32
      "tpu.region"() ({
        %run_scoped3A = tpu.sem_alloc : memref<!tpu.dma_semaphore, #tpu.memory_space<semaphore_mem>>
        %dma_start3A_28 = arith.constant 0 : i32
        %dma_start3A_29 = tpu.memref_slice %arg3[%add3A, %dma_start3A_28] : memref<2560x128xi32, #tpu.memory_space<hbm>> -> memref<40x128xi32, #tpu.memory_space<hbm>>
        %dma_start3A_30 = arith.constant 0 : i32
        %dma_start3A_31 = tpu.memref_slice %arg3[%add3A, %dma_start3A_30] : memref<2560x128xi32, #tpu.memory_space<hbm>> -> memref<40x128xi32, #tpu.memory_space<hbm>>
        tpu.enqueue_dma source(%dma_start3A_31 : memref<40x128xi32, #tpu.memory_space<hbm>>) target(%arg7 : memref<40x128xi32, #tpu.memory_space<vmem>>) target_semaphore(%run_scoped3A : memref<!tpu.dma_semaphore, #tpu.memory_space<semaphore_mem>>)
        %dma_wait3A = arith.constant 0 : i32
        %dma_wait3A_32 = tpu.memref_slice %arg3[%add3A, %dma_wait3A] : memref<2560x128xi32, #tpu.memory_space<hbm>> -> memref<40x128xi32, #tpu.memory_space<hbm>>
        %dma_wait3A_33 = arith.constant 0 : i32
        %dma_wait3A_34 = tpu.memref_slice %arg3[%add3A, %dma_wait3A_33] : memref<2560x128xi32, #tpu.memory_space<hbm>> -> memref<40x128xi32, #tpu.memory_space<hbm>>
        tpu.wait_dma2 semaphore(%run_scoped3A : memref<!tpu.dma_semaphore, #tpu.memory_space<semaphore_mem>>) src(%dma_wait3A_34 : memref<40x128xi32, #tpu.memory_space<hbm>>) dst(%arg7 : memref<40x128xi32, #tpu.memory_space<vmem>>)
        tpu.yield
      }) : () -> ()
      "tpu.region"() ({
        %run_scoped3A = tpu.sem_alloc : memref<!tpu.dma_semaphore, #tpu.memory_space<semaphore_mem>>
        %dma_start3A_28 = arith.constant 0 : i32
        %dma_start3A_29 = tpu.memref_slice %arg4[%add3A, %dma_start3A_28] : memref<2560x128xi32, #tpu.memory_space<hbm>> -> memref<40x128xi32, #tpu.memory_space<hbm>>
        %dma_start3A_30 = arith.constant 0 : i32
        %dma_start3A_31 = tpu.memref_slice %arg4[%add3A, %dma_start3A_30] : memref<2560x128xi32, #tpu.memory_space<hbm>> -> memref<40x128xi32, #tpu.memory_space<hbm>>
        tpu.enqueue_dma source(%dma_start3A_31 : memref<40x128xi32, #tpu.memory_space<hbm>>) target(%arg8 : memref<40x128xi32, #tpu.memory_space<vmem>>) target_semaphore(%run_scoped3A : memref<!tpu.dma_semaphore, #tpu.memory_space<semaphore_mem>>)
        %dma_wait3A = arith.constant 0 : i32
        %dma_wait3A_32 = tpu.memref_slice %arg4[%add3A, %dma_wait3A] : memref<2560x128xi32, #tpu.memory_space<hbm>> -> memref<40x128xi32, #tpu.memory_space<hbm>>
        %dma_wait3A_33 = arith.constant 0 : i32
        %dma_wait3A_34 = tpu.memref_slice %arg4[%add3A, %dma_wait3A_33] : memref<2560x128xi32, #tpu.memory_space<hbm>> -> memref<40x128xi32, #tpu.memory_space<hbm>>
        tpu.wait_dma2 semaphore(%run_scoped3A : memref<!tpu.dma_semaphore, #tpu.memory_space<semaphore_mem>>) src(%dma_wait3A_34 : memref<40x128xi32, #tpu.memory_space<hbm>>) dst(%arg8 : memref<40x128xi32, #tpu.memory_space<vmem>>)
        tpu.yield
      }) : () -> ()
      %dma_start3A = arith.constant 0 : i32
      %dma_start3A_12 = arith.constant 0 : i32
      %dma_start3A_13 = tpu.memref_slice %arg7[%dma_start3A, %dma_start3A_12] : memref<40x128xi32, #tpu.memory_space<vmem>> -> memref<1x128xi32, #tpu.memory_space<vmem>>
      %dma_start3A_14 = tpu.memref_squeeze %dma_start3A_13 : memref<1x128xi32, #tpu.memory_space<vmem>> -> memref<128xi32, #tpu.memory_space<vmem>>
      %dma_start3A_15 = arith.constant 0 : i32
      %dma_start3A_16 = arith.constant 0 : i32
      %dma_start3A_17 = tpu.memref_slice %arg2[%arg0, %dma_start3A_15, %dma_start3A_16] : memref<2x10240x128xf32, #tpu.memory_space<hbm>> -> memref<1x10240x128xf32, #tpu.memory_space<hbm>>
      %dma_start3A_18 = tpu.memref_squeeze %dma_start3A_17 : memref<1x10240x128xf32, #tpu.memory_space<hbm>> -> memref<10240x128xf32, #tpu.memory_space<hbm>>
      %dma_start3A_19 = arith.constant 0 : i32
      %dma_start3A_20 = arith.constant 0 : i32
      %dma_start3A_21 = tpu.memref_slice %dma_start3A_18[%dma_start3A_19, %dma_start3A_20] : memref<10240x128xf32, #tpu.memory_space<hbm>> -> memref<10240x128xf32, #tpu.memory_space<hbm>>
      tpu.enqueue_indirect_dma source(%dma_start3A_21 : memref<10240x128xf32, #tpu.memory_space<hbm>>) target(%arg9 : memref<128x128xf32, #tpu.memory_space<vmem>>) offsets(%dma_start3A_14 : memref<128xi32, #tpu.memory_space<vmem>>) semaphore(%arg11 : memref<!tpu.dma_semaphore, #tpu.memory_space<semaphore_mem>>)
      %scan3A_22 = arith.constant 0 : i32
      %scan3A_23 = arith.constant 0 : i32
      %scan3A_24 = arith.constant 20 : i32
      %scan3A_25 = arith.addi %scan3A_23, %scan3A_24 : i32
      %scan3A_26 = arith.constant 1 : i32
      scf.for %scan3A_28 = %scan3A_23 to %scan3A_25 step %scan3A_26  : i32 {
        %mul3A_29 = arith.constant 2 : i32
        %mul3A_30 = arith.muli %mul3A_29, %scan3A_28 : i32
        %add3A_31 = arith.constant 1 : i32
        %add3A_32 = arith.addi %mul3A_30, %add3A_31 : i32
        %dma_start3A_33 = arith.constant 0 : i32
        %dma_start3A_34 = tpu.memref_slice %arg7[%add3A_32, %dma_start3A_33] : memref<40x128xi32, #tpu.memory_space<vmem>> -> memref<1x128xi32, #tpu.memory_space<vmem>>
        %dma_start3A_35 = tpu.memref_squeeze %dma_start3A_34 : memref<1x128xi32, #tpu.memory_space<vmem>> -> memref<128xi32, #tpu.memory_space<vmem>>
        %dma_start3A_36 = arith.constant 0 : i32
        %dma_start3A_37 = arith.constant 0 : i32
        %dma_start3A_38 = tpu.memref_slice %arg2[%arg0, %dma_start3A_36, %dma_start3A_37] : memref<2x10240x128xf32, #tpu.memory_space<hbm>> -> memref<1x10240x128xf32, #tpu.memory_space<hbm>>
        %dma_start3A_39 = tpu.memref_squeeze %dma_start3A_38 : memref<1x10240x128xf32, #tpu.memory_space<hbm>> -> memref<10240x128xf32, #tpu.memory_space<hbm>>
        %dma_start3A_40 = arith.constant 0 : i32
        %dma_start3A_41 = arith.constant 0 : i32
        %dma_start3A_42 = tpu.memref_slice %dma_start3A_39[%dma_start3A_40, %dma_start3A_41] : memref<10240x128xf32, #tpu.memory_space<hbm>> -> memref<10240x128xf32, #tpu.memory_space<hbm>>
        tpu.enqueue_indirect_dma source(%dma_start3A_42 : memref<10240x128xf32, #tpu.memory_space<hbm>>) target(%arg10 : memref<128x128xf32, #tpu.memory_space<vmem>>) offsets(%dma_start3A_35 : memref<128xi32, #tpu.memory_space<vmem>>) semaphore(%arg12 : memref<!tpu.dma_semaphore, #tpu.memory_space<semaphore_mem>>)
        %dma_wait3A = arith.constant 0 : i32
        %dma_wait3A_43 = tpu.memref_slice %arg7[%mul3A_30, %dma_wait3A] : memref<40x128xi32, #tpu.memory_space<vmem>> -> memref<1x128xi32, #tpu.memory_space<vmem>>
        %dma_wait3A_44 = tpu.memref_squeeze %dma_wait3A_43 : memref<1x128xi32, #tpu.memory_space<vmem>> -> memref<128xi32, #tpu.memory_space<vmem>>
        %dma_wait3A_45 = arith.constant 0 : i32
        %dma_wait3A_46 = arith.constant 0 : i32
        %dma_wait3A_47 = tpu.memref_slice %arg2[%arg0, %dma_wait3A_45, %dma_wait3A_46] : memref<2x10240x128xf32, #tpu.memory_space<hbm>> -> memref<1x10240x128xf32, #tpu.memory_space<hbm>>
        %dma_wait3A_48 = tpu.memref_squeeze %dma_wait3A_47 : memref<1x10240x128xf32, #tpu.memory_space<hbm>> -> memref<10240x128xf32, #tpu.memory_space<hbm>>
        %dma_wait3A_49 = arith.constant 0 : i32
        %dma_wait3A_50 = arith.constant 0 : i32
        %dma_wait3A_51 = tpu.memref_slice %dma_wait3A_48[%dma_wait3A_49, %dma_wait3A_50] : memref<10240x128xf32, #tpu.memory_space<hbm>> -> memref<10240x128xf32, #tpu.memory_space<hbm>>
        tpu.wait_indirect_dma semaphore(%arg11 : memref<!tpu.dma_semaphore, #tpu.memory_space<semaphore_mem>>) src(%dma_wait3A_51 : memref<10240x128xf32, #tpu.memory_space<hbm>>) dst(%arg9 : memref<128x128xf32, #tpu.memory_space<vmem>>)
        "tpu.region"() ({
          %run_scoped3A = tpu.sem_alloc : memref<!tpu.dma_semaphore, #tpu.memory_space<semaphore_mem>>
          %dma_start3A_70 = arith.constant 0 : i32
          %dma_start3A_71 = tpu.memref_slice %arg8[%mul3A_30, %dma_start3A_70] : memref<40x128xi32, #tpu.memory_space<vmem>> -> memref<1x128xi32, #tpu.memory_space<vmem>>
          %dma_start3A_72 = tpu.memref_squeeze %dma_start3A_71 : memref<1x128xi32, #tpu.memory_space<vmem>> -> memref<128xi32, #tpu.memory_space<vmem>>
          %dma_start3A_73 = arith.constant 0 : i32
          %dma_start3A_74 = arith.constant 0 : i32
          %dma_start3A_75 = tpu.memref_slice %arg6[%dma_start3A_73, %dma_start3A_74] : memref<10240x128xf32, #tpu.memory_space<vmem_shared>> -> memref<10240x128xf32, #tpu.memory_space<vmem_shared>>
          tpu.enqueue_indirect_dma source(%arg9 : memref<128x128xf32, #tpu.memory_space<vmem>>) target(%dma_start3A_75 : memref<10240x128xf32, #tpu.memory_space<vmem_shared>>) offsets(%dma_start3A_72 : memref<128xi32, #tpu.memory_space<vmem>>) semaphore(%run_scoped3A : memref<!tpu.dma_semaphore, #tpu.memory_space<semaphore_mem>>) {add = true}
          %dma_wait3A_76 = arith.constant 0 : i32
          %dma_wait3A_77 = tpu.memref_slice %arg8[%mul3A_30, %dma_wait3A_76] : memref<40x128xi32, #tpu.memory_space<vmem>> -> memref<1x128xi32, #tpu.memory_space<vmem>>
          %dma_wait3A_78 = tpu.memref_squeeze %dma_wait3A_77 : memref<1x128xi32, #tpu.memory_space<vmem>> -> memref<128xi32, #tpu.memory_space<vmem>>
          %dma_wait3A_79 = arith.constant 0 : i32
          %dma_wait3A_80 = arith.constant 0 : i32
          %dma_wait3A_81 = tpu.memref_slice %arg6[%dma_wait3A_79, %dma_wait3A_80] : memref<10240x128xf32, #tpu.memory_space<vmem_shared>> -> memref<10240x128xf32, #tpu.memory_space<vmem_shared>>
          tpu.wait_indirect_dma semaphore(%run_scoped3A : memref<!tpu.dma_semaphore, #tpu.memory_space<semaphore_mem>>) src(%arg9 : memref<128x128xf32, #tpu.memory_space<vmem>>) dst(%dma_wait3A_81 : memref<10240x128xf32, #tpu.memory_space<vmem_shared>>)
          tpu.yield
        }) : () -> ()
        %add3A_52 = arith.constant 2 : i32
        %add3A_53 = arith.addi %mul3A_30, %add3A_52 : i32
        %lt3A = arith.constant 40 : i32
        %lt3A_54 = arith.cmpi slt, %add3A_53, %lt3A : i32
        %convert_element_type3A = arith.extui %lt3A_54 : i1 to i32
        %cond3A = arith.constant 0 : i32
        %cond3A_55 = arith.cmpi ne, %convert_element_type3A, %cond3A : i32
        scf.if %cond3A_55 {
          %add3A_70 = arith.constant 2 : i32
          %add3A_71 = arith.addi %mul3A_30, %add3A_70 : i32
          %dma_start3A_72 = arith.constant 0 : i32
          %dma_start3A_73 = tpu.memref_slice %arg7[%add3A_71, %dma_start3A_72] : memref<40x128xi32, #tpu.memory_space<vmem>> -> memref<1x128xi32, #tpu.memory_space<vmem>>
          %dma_start3A_74 = tpu.memref_squeeze %dma_start3A_73 : memref<1x128xi32, #tpu.memory_space<vmem>> -> memref<128xi32, #tpu.memory_space<vmem>>
          %dma_start3A_75 = arith.constant 0 : i32
          %dma_start3A_76 = arith.constant 0 : i32
          %dma_start3A_77 = tpu.memref_slice %arg2[%arg0, %dma_start3A_75, %dma_start3A_76] : memref<2x10240x128xf32, #tpu.memory_space<hbm>> -> memref<1x10240x128xf32, #tpu.memory_space<hbm>>
          %dma_start3A_78 = tpu.memref_squeeze %dma_start3A_77 : memref<1x10240x128xf32, #tpu.memory_space<hbm>> -> memref<10240x128xf32, #tpu.memory_space<hbm>>
          %dma_start3A_79 = arith.constant 0 : i32
          %dma_start3A_80 = arith.constant 0 : i32
          %dma_start3A_81 = tpu.memref_slice %dma_start3A_78[%dma_start3A_79, %dma_start3A_80] : memref<10240x128xf32, #tpu.memory_space<hbm>> -> memref<10240x128xf32, #tpu.memory_space<hbm>>
          tpu.enqueue_indirect_dma source(%dma_start3A_81 : memref<10240x128xf32, #tpu.memory_space<hbm>>) target(%arg9 : memref<128x128xf32, #tpu.memory_space<vmem>>) offsets(%dma_start3A_74 : memref<128xi32, #tpu.memory_space<vmem>>) semaphore(%arg11 : memref<!tpu.dma_semaphore, #tpu.memory_space<semaphore_mem>>)
        } else {
        }
        %add3A_56 = arith.constant 1 : i32
        %add3A_57 = arith.addi %mul3A_30, %add3A_56 : i32
        %dma_wait3A_58 = arith.constant 0 : i32
        %dma_wait3A_59 = tpu.memref_slice %arg7[%add3A_57, %dma_wait3A_58] : memref<40x128xi32, #tpu.memory_space<vmem>> -> memref<1x128xi32, #tpu.memory_space<vmem>>
        %dma_wait3A_60 = tpu.memref_squeeze %dma_wait3A_59 : memref<1x128xi32, #tpu.memory_space<vmem>> -> memref<128xi32, #tpu.memory_space<vmem>>
        %dma_wait3A_61 = arith.constant 0 : i32
        %dma_wait3A_62 = arith.constant 0 : i32
        %dma_wait3A_63 = tpu.memref_slice %arg2[%arg0, %dma_wait3A_61, %dma_wait3A_62] : memref<2x10240x128xf32, #tpu.memory_space<hbm>> -> memref<1x10240x128xf32, #tpu.memory_space<hbm>>
        %dma_wait3A_64 = tpu.memref_squeeze %dma_wait3A_63 : memref<1x10240x128xf32, #tpu.memory_space<hbm>> -> memref<10240x128xf32, #tpu.memory_space<hbm>>
        %dma_wait3A_65 = arith.constant 0 : i32
        %dma_wait3A_66 = arith.constant 0 : i32
        %dma_wait3A_67 = tpu.memref_slice %dma_wait3A_64[%dma_wait3A_65, %dma_wait3A_66] : memref<10240x128xf32, #tpu.memory_space<hbm>> -> memref<10240x128xf32, #tpu.memory_space<hbm>>
        tpu.wait_indirect_dma semaphore(%arg12 : memref<!tpu.dma_semaphore, #tpu.memory_space<semaphore_mem>>) src(%dma_wait3A_67 : memref<10240x128xf32, #tpu.memory_space<hbm>>) dst(%arg10 : memref<128x128xf32, #tpu.memory_space<vmem>>)
        %add3A_68 = arith.constant 1 : i32
        %add3A_69 = arith.addi %mul3A_30, %add3A_68 : i32
        "tpu.region"() ({
          %run_scoped3A = tpu.sem_alloc : memref<!tpu.dma_semaphore, #tpu.memory_space<semaphore_mem>>
          %dma_start3A_70 = arith.constant 0 : i32
          %dma_start3A_71 = tpu.memref_slice %arg8[%add3A_69, %dma_start3A_70] : memref<40x128xi32, #tpu.memory_space<vmem>> -> memref<1x128xi32, #tpu.memory_space<vmem>>
          %dma_start3A_72 = tpu.memref_squeeze %dma_start3A_71 : memref<1x128xi32, #tpu.memory_space<vmem>> -> memref<128xi32, #tpu.memory_space<vmem>>
          %dma_start3A_73 = arith.constant 0 : i32
          %dma_start3A_74 = arith.constant 0 : i32
          %dma_start3A_75 = tpu.memref_slice %arg6[%dma_start3A_73, %dma_start3A_74] : memref<10240x128xf32, #tpu.memory_space<vmem_shared>> -> memref<10240x128xf32, #tpu.memory_space<vmem_shared>>
          tpu.enqueue_indirect_dma source(%arg10 : memref<128x128xf32, #tpu.memory_space<vmem>>) target(%dma_start3A_75 : memref<10240x128xf32, #tpu.memory_space<vmem_shared>>) offsets(%dma_start3A_72 : memref<128xi32, #tpu.memory_space<vmem>>) semaphore(%run_scoped3A : memref<!tpu.dma_semaphore, #tpu.memory_space<semaphore_mem>>) {add = true}
          %dma_wait3A_76 = arith.constant 0 : i32
          %dma_wait3A_77 = tpu.memref_slice %arg8[%add3A_69, %dma_wait3A_76] : memref<40x128xi32, #tpu.memory_space<vmem>> -> memref<1x128xi32, #tpu.memory_space<vmem>>
          %dma_wait3A_78 = tpu.memref_squeeze %dma_wait3A_77 : memref<1x128xi32, #tpu.memory_space<vmem>> -> memref<128xi32, #tpu.memory_space<vmem>>
          %dma_wait3A_79 = arith.constant 0 : i32
          %dma_wait3A_80 = arith.constant 0 : i32
          %dma_wait3A_81 = tpu.memref_slice %arg6[%dma_wait3A_79, %dma_wait3A_80] : memref<10240x128xf32, #tpu.memory_space<vmem_shared>> -> memref<10240x128xf32, #tpu.memory_space<vmem_shared>>
          tpu.wait_indirect_dma semaphore(%run_scoped3A : memref<!tpu.dma_semaphore, #tpu.memory_space<semaphore_mem>>) src(%arg10 : memref<128x128xf32, #tpu.memory_space<vmem>>) dst(%dma_wait3A_81 : memref<10240x128xf32, #tpu.memory_space<vmem_shared>>)
          tpu.yield
        }) : () -> ()
      }
      %scan3A_27 = arith.constant 20 : i32
    }
    %scan3A_7 = arith.constant 4 : i32
    %barrier3A_8 = arith.constant 0 : index
    tpu.barrier barrier_id(%barrier3A_8)
    "tpu.region"() ({
      %run_scoped3A = tpu.sem_alloc : memref<!tpu.dma_semaphore, #tpu.memory_space<semaphore_mem>>
      %dma_start3A = arith.constant 0 : i32
      %dma_start3A_9 = tpu.memref_slice %arg5[%arg0, %mul3A_0, %dma_start3A] : memref<2x10240x128xf32, #tpu.memory_space<hbm>> -> memref<1x640x128xf32, #tpu.memory_space<hbm>>
      %dma_start3A_10 = tpu.memref_squeeze %dma_start3A_9 : memref<1x640x128xf32, #tpu.memory_space<hbm>> -> memref<640x128xf32, #tpu.memory_space<hbm>>
      %dma_start3A_11 = arith.constant 0 : i32
      %dma_start3A_12 = tpu.memref_slice %arg6[%mul3A_0, %dma_start3A_11] : memref<10240x128xf32, #tpu.memory_space<vmem_shared>> -> memref<640x128xf32, #tpu.memory_space<vmem_shared>>
      tpu.enqueue_dma source(%dma_start3A_12 : memref<640x128xf32, #tpu.memory_space<vmem_shared>>) target(%dma_start3A_10 : memref<640x128xf32, #tpu.memory_space<hbm>>) target_semaphore(%run_scoped3A : memref<!tpu.dma_semaphore, #tpu.memory_space<semaphore_mem>>)
      %dma_wait3A = arith.constant 0 : i32
      %dma_wait3A_13 = tpu.memref_slice %arg5[%arg0, %mul3A_0, %dma_wait3A] : memref<2x10240x128xf32, #tpu.memory_space<hbm>> -> memref<1x640x128xf32, #tpu.memory_space<hbm>>
      %dma_wait3A_14 = tpu.memref_squeeze %dma_wait3A_13 : memref<1x640x128xf32, #tpu.memory_space<hbm>> -> memref<640x128xf32, #tpu.memory_space<hbm>>
      %dma_wait3A_15 = arith.constant 0 : i32
      %dma_wait3A_16 = tpu.memref_slice %arg6[%mul3A_0, %dma_wait3A_15] : memref<10240x128xf32, #tpu.memory_space<vmem_shared>> -> memref<640x128xf32, #tpu.memory_space<vmem_shared>>
      tpu.wait_dma2 semaphore(%run_scoped3A : memref<!tpu.dma_semaphore, #tpu.memory_space<semaphore_mem>>) src(%dma_wait3A_16 : memref<640x128xf32, #tpu.memory_space<vmem_shared>>) dst(%dma_wait3A_14 : memref<640x128xf32, #tpu.memory_space<hbm>>)
      tpu.yield
    }) : () -> ()
    return
  }
}

module attributes {stable_mosaic.version = 14 : i64} {
  func.func @_repack_body(%arg0: memref<2x2500x128xi32, #tpu.memory_space<vmem>>, %arg1: memref<2x60x128xi32, #tpu.memory_space<vmem>>, %arg2: memref<2x2560x128xi32, #tpu.memory_space<vmem>>) attributes {dimension_semantics = [], scalar_prefetch = 0 : i64, scratch_operands = 0 : i64, tpu.core_type = #tpu.core_type<tc>} {
    %get3A = arith.constant 0 : index
    %get3A_0 = arith.constant 0 : index
    %get3A_1 = arith.constant 0 : index
    %get3A_2 = vector.load %arg0[%get3A, %get3A_0, %get3A_1] : memref<2x2500x128xi32, #tpu.memory_space<vmem>>, vector<2x2500x128xi32>
    %swap3A = arith.constant 0 : index
    %swap3A_3 = arith.constant 0 : index
    %swap3A_4 = arith.constant 0 : index
    %swap3A_5 = vector.load %arg2[%swap3A, %swap3A_3, %swap3A_4] : memref<2x2560x128xi32, #tpu.memory_space<vmem>>, vector<2x2500x128xi32>
    tpu.vector_store %arg2[%swap3A, %swap3A_3, %swap3A_4], %get3A_2 {strides = array<i32>} : memref<2x2560x128xi32, #tpu.memory_space<vmem>>, vector<2x2500x128xi32>,
    %get3A_6 = arith.constant 0 : index
    %get3A_7 = arith.constant 0 : index
    %get3A_8 = arith.constant 0 : index
    %get3A_9 = vector.load %arg1[%get3A_6, %get3A_7, %get3A_8] : memref<2x60x128xi32, #tpu.memory_space<vmem>>, vector<2x60x128xi32>
    %swap3A_10 = arith.constant 0 : index
    %swap3A_11 = arith.constant 2500 : index
    %swap3A_12 = arith.constant 0 : index
    %swap3A_13 = vector.load %arg2[%swap3A_10, %swap3A_11, %swap3A_12] : memref<2x2560x128xi32, #tpu.memory_space<vmem>>, vector<2x60x128xi32>
    tpu.vector_store %arg2[%swap3A_10, %swap3A_11, %swap3A_12], %get3A_9 {strides = array<i32>} : memref<2x2560x128xi32, #tpu.memory_space<vmem>>, vector<2x60x128xi32>,
    return
  }
}

module attributes {stable_mosaic.version = 14 : i64} {
  func.func @_scale_body(%arg0: i32, %arg1: memref<1x5000x128xf32, #tpu.memory_space<vmem>>, %arg2: memref<1x5000x128xf32, #tpu.memory_space<vmem>>, %arg3: memref<5000x128xf32, #tpu.memory_space<vmem>>, %arg4: memref<5000x128xf32, #tpu.memory_space<vmem>>) attributes {dimension_semantics = [#tpu.dimension_semantics<arbitrary>], iteration_bounds = array<i64: 2>, scalar_prefetch = 0 : i64, scratch_operands = 0 : i64, tpu.core_type = #tpu.core_type<tc>, window_params = [{transform_indices = @transform_0, window_bounds = array<i64: 1, 5000, 128>}, {transform_indices = @transform_1, window_bounds = array<i64: 1, 5000, 128>}, {transform_indices = @transform_2, window_bounds = array<i64: 5000, 128>}, {transform_indices = @transform_3, window_bounds = array<i64: 5000, 128>}]} {
    %get3A = arith.constant 0 : index
    %get3A_0 = arith.constant 0 : index
    %get3A_1 = arith.constant 0 : index
    %get3A_2 = vector.load %arg1[%get3A, %get3A_0, %get3A_1] : memref<1x5000x128xf32, #tpu.memory_space<vmem>>, vector<1x5000x1xf32>
    %get3A_3 = vector.shape_cast %get3A_2 : vector<1x5000x1xf32> to vector<5000x1xf32>
    %get3A_4 = arith.constant 0 : index
    %get3A_5 = arith.constant 0 : index
    %get3A_6 = arith.constant 0 : index
    %get3A_7 = vector.load %arg2[%get3A_4, %get3A_5, %get3A_6] : memref<1x5000x128xf32, #tpu.memory_space<vmem>>, vector<1x5000x1xf32>
    %get3A_8 = vector.shape_cast %get3A_7 : vector<1x5000x1xf32> to vector<5000x1xf32>
    %add3A = arith.addf %get3A_3, %get3A_8 : vector<5000x1xf32>
    %add3A_9 = arith.constant 1.000000e+00 : f32
    %add3A_10 = vector.broadcast %add3A_9 : f32 to vector<5000x1xf32>
    %add3A_11 = arith.addf %add3A, %add3A_10 : vector<5000x1xf32>
    %rsqrt3A = math.rsqrt %add3A_11 : vector<5000x1xf32>
    %get3A_12 = arith.constant 0 : index
    %get3A_13 = arith.constant 0 : index
    %get3A_14 = vector.load %arg3[%get3A_12, %get3A_13] : memref<5000x128xf32, #tpu.memory_space<vmem>>, vector<5000x128xf32>
    %mul3A = vector.broadcast %rsqrt3A : vector<5000x1xf32> to vector<5000x128xf32>
    %mul3A_15 = arith.mulf %get3A_14, %mul3A : vector<5000x128xf32>
    %swap3A = arith.constant 0 : index
    %swap3A_16 = arith.constant 0 : index
    %swap3A_17 = vector.load %arg4[%swap3A, %swap3A_16] : memref<5000x128xf32, #tpu.memory_space<vmem>>, vector<5000x128xf32>
    tpu.vector_store %arg4[%swap3A, %swap3A_16], %mul3A_15 {strides = array<i32>} : memref<5000x128xf32, #tpu.memory_space<vmem>>, vector<5000x128xf32>,
    return
  }
  func.func @transform_0(%arg0: i32) -> (i32, i32, i32) {
    %c0_i32 = arith.constant 0 : i32
    %c0_i32_0 = arith.constant 0 : i32
    %c0_i32_1 = arith.constant 0 : i32
    return %c0_i32, %arg0, %c0_i32_0 : i32, i32, i32
  }
  func.func @transform_1(%arg0: i32) -> (i32, i32, i32) {
    %c1_i32 = arith.constant 1 : i32
    %c0_i32 = arith.constant 0 : i32
    %c0_i32_0 = arith.constant 0 : i32
    return %c1_i32, %arg0, %c0_i32 : i32, i32, i32
  }
  func.func @transform_2(%arg0: i32) -> (i32, i32) {
    %c0_i32 = arith.constant 0 : i32
    %c0_i32_0 = arith.constant 0 : i32
    return %arg0, %c0_i32 : i32, i32
  }
  func.func @transform_3(%arg0: i32) -> (i32, i32) {
    %c0_i32 = arith.constant 0 : i32
    %c0_i32_0 = arith.constant 0 : i32
    return %arg0, %c0_i32 : i32, i32
  }
}

module attributes {stable_mosaic.version = 14 : i64} {
  func.func @_mid_body(%arg0: i32, %arg1: memref<1x5000x128xf32, #tpu.memory_space<vmem>>, %arg2: memref<1x5000x128xf32, #tpu.memory_space<vmem>>, %arg3: memref<2x5000x128xf32, #tpu.memory_space<vmem>>, %arg4: memref<5000x128xf32, #tpu.memory_space<vmem>>, %arg5: memref<128x256xf32, #tpu.memory_space<vmem>>, %arg6: memref<1x256xf32, #tpu.memory_space<vmem>>, %arg7: memref<2x5000x128xf32, #tpu.memory_space<vmem>>) attributes {dimension_semantics = [#tpu.dimension_semantics<arbitrary>], iteration_bounds = array<i64: 2>, scalar_prefetch = 0 : i64, scratch_operands = 0 : i64, tpu.core_type = #tpu.core_type<tc>, window_params = [{transform_indices = @transform_0, window_bounds = array<i64: 1, 5000, 128>}, {transform_indices = @transform_1, window_bounds = array<i64: 1, 5000, 128>}, {transform_indices = @transform_2, window_bounds = array<i64: 2, 5000, 128>}, {transform_indices = @transform_3, window_bounds = array<i64: 5000, 128>}, {pipeline_mode = #tpu.pipeline_mode<synchronous>, transform_indices = @transform_4, window_bounds = array<i64: 128, 256>}, {pipeline_mode = #tpu.pipeline_mode<synchronous>, transform_indices = @transform_5, window_bounds = array<i64: 1, 256>}, {transform_indices = @transform_6, window_bounds = array<i64: 2, 5000, 128>}]} {
    %get3A = arith.constant 0 : index
    %get3A_0 = arith.constant 0 : index
    %get3A_1 = arith.constant 0 : index
    %get3A_2 = vector.load %arg1[%get3A, %get3A_0, %get3A_1] : memref<1x5000x128xf32, #tpu.memory_space<vmem>>, vector<1x5000x1xf32>
    %get3A_3 = vector.shape_cast %get3A_2 : vector<1x5000x1xf32> to vector<5000x1xf32>
    %get3A_4 = arith.constant 0 : index
    %get3A_5 = arith.constant 0 : index
    %get3A_6 = arith.constant 0 : index
    %get3A_7 = vector.load %arg2[%get3A_4, %get3A_5, %get3A_6] : memref<1x5000x128xf32, #tpu.memory_space<vmem>>, vector<1x5000x1xf32>
    %get3A_8 = vector.shape_cast %get3A_7 : vector<1x5000x1xf32> to vector<5000x1xf32>
    %add3A = arith.addf %get3A_3, %get3A_8 : vector<5000x1xf32>
    %add3A_9 = arith.constant 1.000000e+00 : f32
    %add3A_10 = vector.broadcast %add3A_9 : f32 to vector<5000x1xf32>
    %add3A_11 = arith.addf %add3A, %add3A_10 : vector<5000x1xf32>
    %rsqrt3A = math.rsqrt %add3A_11 : vector<5000x1xf32>
    %get3A_12 = arith.constant 0 : index
    %get3A_13 = arith.constant 0 : index
    %get3A_14 = arith.constant 0 : index
    %get3A_15 = vector.load %arg3[%get3A_12, %get3A_13, %get3A_14] : memref<2x5000x128xf32, #tpu.memory_space<vmem>>, vector<1x5000x128xf32>
    %get3A_16 = vector.shape_cast %get3A_15 : vector<1x5000x128xf32> to vector<5000x128xf32>
    %get3A_17 = arith.constant 1 : index
    %get3A_18 = arith.constant 0 : index
    %get3A_19 = arith.constant 0 : index
    %get3A_20 = vector.load %arg3[%get3A_17, %get3A_18, %get3A_19] : memref<2x5000x128xf32, #tpu.memory_space<vmem>>, vector<1x5000x128xf32>
    %get3A_21 = vector.shape_cast %get3A_20 : vector<1x5000x128xf32> to vector<5000x128xf32>
    %add3A_22 = arith.addf %get3A_16, %get3A_21 : vector<5000x128xf32>
    %get3A_23 = arith.constant 0 : index
    %get3A_24 = arith.constant 0 : index
    %get3A_25 = vector.load %arg4[%get3A_23, %get3A_24] : memref<5000x128xf32, #tpu.memory_space<vmem>>, vector<5000x128xf32>
    %sub3A = arith.subf %add3A_22, %get3A_25 : vector<5000x128xf32>
    %mul3A = vector.broadcast %rsqrt3A : vector<5000x1xf32> to vector<5000x128xf32>
    %mul3A_26 = arith.mulf %sub3A, %mul3A : vector<5000x128xf32>
    %get3A_27 = arith.constant 0 : index
    %get3A_28 = arith.constant 0 : index
    %get3A_29 = vector.load %arg5[%get3A_27, %get3A_28] : memref<128x256xf32, #tpu.memory_space<vmem>>, vector<128x256xf32>
    %dot_general3A = arith.constant dense<0.000000e+00> : vector<5000x256xf32>
    %dot_general3A_30 = tpu.matmul %mul3A_26, %get3A_29, %dot_general3A {dimension_numbers = #tpu.dot_dimension_numbers<[1], [0], [0], [1], [0, 0, 1, 1], [], []>, transpose_lhs_hint = false} : vector<5000x128xf32>, vector<128x256xf32>, vector<5000x256xf32> -> vector<5000x256xf32>
    %get3A_31 = arith.constant 0 : index
    %get3A_32 = arith.constant 0 : index
    %get3A_33 = vector.load %arg6[%get3A_31, %get3A_32] : memref<1x256xf32, #tpu.memory_space<vmem>>, vector<1x256xf32>
    %add3A_34 = vector.broadcast %get3A_33 : vector<1x256xf32> to vector<5000x256xf32>
    %add3A_35 = arith.addf %dot_general3A_30, %add3A_34 : vector<5000x256xf32>
    %max3A = arith.constant 0.000000e+00 : f32
    %max3A_36 = vector.broadcast %max3A : f32 to vector<5000x256xf32>
    %max3A_37 = arith.maximumf %add3A_35, %max3A_36 : vector<5000x256xf32>
    %mul3A_38 = vector.broadcast %rsqrt3A : vector<5000x1xf32> to vector<5000x256xf32>
    %mul3A_39 = arith.mulf %max3A_37, %mul3A_38 : vector<5000x256xf32>
    %slice3A = vector.extract_strided_slice %mul3A_39 {offsets = [0, 0], sizes = [5000, 128], strides = [1, 1]} : vector<5000x256xf32> to vector<5000x128xf32>
    %swap3A = arith.constant 0 : index
    %swap3A_40 = arith.constant 0 : index
    %swap3A_41 = arith.constant 0 : index
    %swap3A_42 = vector.load %arg7[%swap3A, %swap3A_40, %swap3A_41] : memref<2x5000x128xf32, #tpu.memory_space<vmem>>, vector<1x5000x128xf32>
    %swap3A_43 = vector.shape_cast %swap3A_42 : vector<1x5000x128xf32> to vector<5000x128xf32>
    %swap3A_44 = vector.shape_cast %slice3A : vector<5000x128xf32> to vector<1x5000x128xf32>
    tpu.vector_store %arg7[%swap3A, %swap3A_40, %swap3A_41], %swap3A_44 {strides = array<i32>} : memref<2x5000x128xf32, #tpu.memory_space<vmem>>, vector<1x5000x128xf32>,
    %slice3A_45 = vector.extract_strided_slice %mul3A_39 {offsets = [0, 128], sizes = [5000, 128], strides = [1, 1]} : vector<5000x256xf32> to vector<5000x128xf32>
    %swap3A_46 = arith.constant 1 : index
    %swap3A_47 = arith.constant 0 : index
    %swap3A_48 = arith.constant 0 : index
    %swap3A_49 = vector.load %arg7[%swap3A_46, %swap3A_47, %swap3A_48] : memref<2x5000x128xf32, #tpu.memory_space<vmem>>, vector<1x5000x128xf32>
    %swap3A_50 = vector.shape_cast %swap3A_49 : vector<1x5000x128xf32> to vector<5000x128xf32>
    %swap3A_51 = vector.shape_cast %slice3A_45 : vector<5000x128xf32> to vector<1x5000x128xf32>
    tpu.vector_store %arg7[%swap3A_46, %swap3A_47, %swap3A_48], %swap3A_51 {strides = array<i32>} : memref<2x5000x128xf32, #tpu.memory_space<vmem>>, vector<1x5000x128xf32>,
    return
  }
  func.func @transform_0(%arg0: i32) -> (i32, i32, i32) {
    %c0_i32 = arith.constant 0 : i32
    %c0_i32_0 = arith.constant 0 : i32
    %c0_i32_1 = arith.constant 0 : i32
    return %c0_i32, %arg0, %c0_i32_0 : i32, i32, i32
  }
  func.func @transform_1(%arg0: i32) -> (i32, i32, i32) {
    %c1_i32 = arith.constant 1 : i32
    %c0_i32 = arith.constant 0 : i32
    %c0_i32_0 = arith.constant 0 : i32
    return %c1_i32, %arg0, %c0_i32 : i32, i32, i32
  }
  func.func @transform_2(%arg0: i32) -> (i32, i32, i32) {
    %c0_i32 = arith.constant 0 : i32
    %c0_i32_0 = arith.constant 0 : i32
    %c0_i32_1 = arith.constant 0 : i32
    return %c0_i32, %arg0, %c0_i32_0 : i32, i32, i32
  }
  func.func @transform_3(%arg0: i32) -> (i32, i32) {
    %c0_i32 = arith.constant 0 : i32
    %c0_i32_0 = arith.constant 0 : i32
    return %arg0, %c0_i32 : i32, i32
  }
  func.func @transform_4(%arg0: i32) -> (i32, i32) {
    %c0_i32 = arith.constant 0 : i32
    %c0_i32_0 = arith.constant 0 : i32
    %c0_i32_1 = arith.constant 0 : i32
    return %c0_i32, %c0_i32_0 : i32, i32
  }
  func.func @transform_5(%arg0: i32) -> (i32, i32) {
    %c0_i32 = arith.constant 0 : i32
    %c0_i32_0 = arith.constant 0 : i32
    %c0_i32_1 = arith.constant 0 : i32
    return %c0_i32, %c0_i32_0 : i32, i32
  }
  func.func @transform_6(%arg0: i32) -> (i32, i32, i32) {
    %c0_i32 = arith.constant 0 : i32
    %c0_i32_0 = arith.constant 0 : i32
    %c0_i32_1 = arith.constant 0 : i32
    return %c0_i32, %arg0, %c0_i32_0 : i32, i32, i32
  }
}

module attributes {stable_mosaic.version = 14 : i64} {
  func.func @_out_body(%arg0: i32, %arg1: memref<1x5000x128xf32, #tpu.memory_space<vmem>>, %arg2: memref<1x5000x128xf32, #tpu.memory_space<vmem>>, %arg3: memref<2x5000x128xf32, #tpu.memory_space<vmem>>, %arg4: memref<256x256xf32, #tpu.memory_space<vmem>>, %arg5: memref<1x256xf32, #tpu.memory_space<vmem>>, %arg6: memref<256x128xf32, #tpu.memory_space<vmem>>, %arg7: memref<1x18xf32, #tpu.memory_space<vmem>>, %arg8: memref<5000x18xf32, #tpu.memory_space<vmem>>) attributes {dimension_semantics = [#tpu.dimension_semantics<arbitrary>], iteration_bounds = array<i64: 2>, scalar_prefetch = 0 : i64, scratch_operands = 0 : i64, tpu.core_type = #tpu.core_type<tc>, window_params = [{transform_indices = @transform_0, window_bounds = array<i64: 1, 5000, 128>}, {transform_indices = @transform_1, window_bounds = array<i64: 1, 5000, 128>}, {transform_indices = @transform_2, window_bounds = array<i64: 2, 5000, 128>}, {pipeline_mode = #tpu.pipeline_mode<synchronous>, transform_indices = @transform_3, window_bounds = array<i64: 256, 256>}, {pipeline_mode = #tpu.pipeline_mode<synchronous>, transform_indices = @transform_4, window_bounds = array<i64: 1, 256>}, {pipeline_mode = #tpu.pipeline_mode<synchronous>, transform_indices = @transform_5, window_bounds = array<i64: 256, 128>}, {pipeline_mode = #tpu.pipeline_mode<synchronous>, transform_indices = @transform_6, window_bounds = array<i64: 1, 18>}, {transform_indices = @transform_7, window_bounds = array<i64: 5000, 18>}]} {
    %get3A = arith.constant 0 : index
    %get3A_0 = arith.constant 0 : index
    %get3A_1 = arith.constant 0 : index
    %get3A_2 = vector.load %arg1[%get3A, %get3A_0, %get3A_1] : memref<1x5000x128xf32, #tpu.memory_space<vmem>>, vector<1x5000x1xf32>
    %get3A_3 = vector.shape_cast %get3A_2 : vector<1x5000x1xf32> to vector<5000x1xf32>
    %get3A_4 = arith.constant 0 : index
    %get3A_5 = arith.constant 0 : index
    %get3A_6 = arith.constant 0 : index
    %get3A_7 = vector.load %arg2[%get3A_4, %get3A_5, %get3A_6] : memref<1x5000x128xf32, #tpu.memory_space<vmem>>, vector<1x5000x1xf32>
    %get3A_8 = vector.shape_cast %get3A_7 : vector<1x5000x1xf32> to vector<5000x1xf32>
    %add3A = arith.addf %get3A_3, %get3A_8 : vector<5000x1xf32>
    %add3A_9 = arith.constant 1.000000e+00 : f32
    %add3A_10 = vector.broadcast %add3A_9 : f32 to vector<5000x1xf32>
    %add3A_11 = arith.addf %add3A, %add3A_10 : vector<5000x1xf32>
    %rsqrt3A = math.rsqrt %add3A_11 : vector<5000x1xf32>
    %get3A_12 = arith.constant 0 : index
    %get3A_13 = arith.constant 0 : index
    %get3A_14 = arith.constant 0 : index
    %get3A_15 = vector.load %arg3[%get3A_12, %get3A_13, %get3A_14] : memref<2x5000x128xf32, #tpu.memory_space<vmem>>, vector<1x5000x128xf32>
    %get3A_16 = vector.shape_cast %get3A_15 : vector<1x5000x128xf32> to vector<5000x128xf32>
    %get3A_17 = arith.constant 1 : index
    %get3A_18 = arith.constant 0 : index
    %get3A_19 = arith.constant 0 : index
    %get3A_20 = vector.load %arg3[%get3A_17, %get3A_18, %get3A_19] : memref<2x5000x128xf32, #tpu.memory_space<vmem>>, vector<1x5000x128xf32>
    %get3A_21 = vector.shape_cast %get3A_20 : vector<1x5000x128xf32> to vector<5000x128xf32>
    %concatenate3A = tpu.concatenate %get3A_16, %get3A_21 in 1 : vector<5000x128xf32>, vector<5000x128xf32> -> vector<5000x256xf32>
    %mul3A = vector.broadcast %rsqrt3A : vector<5000x1xf32> to vector<5000x256xf32>
    %mul3A_22 = arith.mulf %concatenate3A, %mul3A : vector<5000x256xf32>
    %get3A_23 = arith.constant 0 : index
    %get3A_24 = arith.constant 0 : index
    %get3A_25 = vector.load %arg4[%get3A_23, %get3A_24] : memref<256x256xf32, #tpu.memory_space<vmem>>, vector<256x256xf32>
    %dot_general3A = arith.constant dense<0.000000e+00> : vector<5000x256xf32>
    %dot_general3A_26 = tpu.matmul %mul3A_22, %get3A_25, %dot_general3A {dimension_numbers = #tpu.dot_dimension_numbers<[1], [0], [0], [1], [0, 0, 1, 1], [], []>, transpose_lhs_hint = false} : vector<5000x256xf32>, vector<256x256xf32>, vector<5000x256xf32> -> vector<5000x256xf32>
    %get3A_27 = arith.constant 0 : index
    %get3A_28 = arith.constant 0 : index
    %get3A_29 = vector.load %arg5[%get3A_27, %get3A_28] : memref<1x256xf32, #tpu.memory_space<vmem>>, vector<1x256xf32>
    %add3A_30 = vector.broadcast %get3A_29 : vector<1x256xf32> to vector<5000x256xf32>
    %add3A_31 = arith.addf %dot_general3A_26, %add3A_30 : vector<5000x256xf32>
    %max3A = arith.constant 0.000000e+00 : f32
    %max3A_32 = vector.broadcast %max3A : f32 to vector<5000x256xf32>
    %max3A_33 = arith.maximumf %add3A_31, %max3A_32 : vector<5000x256xf32>
    %get3A_34 = arith.constant 0 : index
    %get3A_35 = arith.constant 0 : index
    %get3A_36 = vector.load %arg6[%get3A_34, %get3A_35] : memref<256x128xf32, #tpu.memory_space<vmem>>, vector<256x128xf32>
    %dot_general3A_37 = arith.constant dense<0.000000e+00> : vector<5000x128xf32>
    %dot_general3A_38 = tpu.matmul %max3A_33, %get3A_36, %dot_general3A_37 {dimension_numbers = #tpu.dot_dimension_numbers<[1], [0], [0], [1], [0, 0, 1, 1], [], []>, transpose_lhs_hint = false} : vector<5000x256xf32>, vector<256x128xf32>, vector<5000x128xf32> -> vector<5000x128xf32>
    %slice3A = vector.extract_strided_slice %dot_general3A_38 {offsets = [0, 0], sizes = [5000, 18], strides = [1, 1]} : vector<5000x128xf32> to vector<5000x18xf32>
    %get3A_39 = arith.constant 0 : index
    %get3A_40 = arith.constant 0 : index
    %get3A_41 = vector.load %arg7[%get3A_39, %get3A_40] : memref<1x18xf32, #tpu.memory_space<vmem>>, vector<1x18xf32>
    %add3A_42 = vector.broadcast %get3A_41 : vector<1x18xf32> to vector<5000x18xf32>
    %add3A_43 = arith.addf %slice3A, %add3A_42 : vector<5000x18xf32>
    %swap3A = arith.constant 0 : index
    %swap3A_44 = arith.constant 0 : index
    %swap3A_45 = vector.load %arg8[%swap3A, %swap3A_44] : memref<5000x18xf32, #tpu.memory_space<vmem>>, vector<5000x18xf32>
    tpu.vector_store %arg8[%swap3A, %swap3A_44], %add3A_43 {strides = array<i32>} : memref<5000x18xf32, #tpu.memory_space<vmem>>, vector<5000x18xf32>,
    return
  }
  func.func @transform_0(%arg0: i32) -> (i32, i32, i32) {
    %c0_i32 = arith.constant 0 : i32
    %c0_i32_0 = arith.constant 0 : i32
    %c0_i32_1 = arith.constant 0 : i32
    return %c0_i32, %arg0, %c0_i32_0 : i32, i32, i32
  }
  func.func @transform_1(%arg0: i32) -> (i32, i32, i32) {
    %c1_i32 = arith.constant 1 : i32
    %c0_i32 = arith.constant 0 : i32
    %c0_i32_0 = arith.constant 0 : i32
    return %c1_i32, %arg0, %c0_i32 : i32, i32, i32
  }
  func.func @transform_2(%arg0: i32) -> (i32, i32, i32) {
    %c0_i32 = arith.constant 0 : i32
    %c0_i32_0 = arith.constant 0 : i32
    %c0_i32_1 = arith.constant 0 : i32
    return %c0_i32, %arg0, %c0_i32_0 : i32, i32, i32
  }
  func.func @transform_3(%arg0: i32) -> (i32, i32) {
    %c0_i32 = arith.constant 0 : i32
    %c0_i32_0 = arith.constant 0 : i32
    %c0_i32_1 = arith.constant 0 : i32
    return %c0_i32, %c0_i32_0 : i32, i32
  }
  func.func @transform_4(%arg0: i32) -> (i32, i32) {
    %c0_i32 = arith.constant 0 : i32
    %c0_i32_0 = arith.constant 0 : i32
    %c0_i32_1 = arith.constant 0 : i32
    return %c0_i32, %c0_i32_0 : i32, i32
  }
  func.func @transform_5(%arg0: i32) -> (i32, i32) {
    %c0_i32 = arith.constant 0 : i32
    %c0_i32_0 = arith.constant 0 : i32
    %c0_i32_1 = arith.constant 0 : i32
    return %c0_i32, %c0_i32_0 : i32, i32
  }
  func.func @transform_6(%arg0: i32) -> (i32, i32) {
    %c0_i32 = arith.constant 0 : i32
    %c0_i32_0 = arith.constant 0 : i32
    %c0_i32_1 = arith.constant 0 : i32
    return %c0_i32, %c0_i32_0 : i32, i32
  }
  func.func @transform_7(%arg0: i32) -> (i32, i32) {
    %c0_i32 = arith.constant 0 : i32
    %c0_i32_0 = arith.constant 0 : i32
    return %arg0, %c0_i32 : i32, i32
  }
}

</mosaic_0001>

<sc_bundles>
// kernel: kernel.12.cloned.1.call-start
scs
__scs_entry_jumppad:
0x0: {  	(pc) =	sbr.rel $0x88, $3  }
0x1: {  	(tag) =	ssettag $0x0;
	lr =	simm.s32 $0x1  }
0x2: {  	[smem:$0x3F99] =	sst lr;
	_ =	strace $0xD0000000  }
0x3: {  	_ = 	snop  }
0x4: {  	_ = 	snop  }
0x5: {  	_ = 	snop  }
0x6: {  	_ = 	snop  }
0x7: {  	_ = 	snop  }
__scs_overlays_trampoline_lowered:
0x8: {  	[smem:$0x3FA8] =	sst s0  }
0x9: {  	[smem:$0x3FA9] =	sst s1  }
0xa: {  	[smem:$0x3FAA] =	sst s2  }
0xb: {  	[smem:$0x3FAB] =	sst s3  }
0xc: {  	[smem:$0x3FAC] =	sst s4  }
0xd: {  	[smem:$0x3FAD] =	sst s5  }
0xe: {  	[smem:$0x3FAE] =	sst s6  }
0xf: {  	[smem:$0x3FAF] =	sst s7  }
0x10: {  	[smem:$0x3FB0] =	sst s8  }
0x11: {  	[smem:$0x3FB1] =	sst s9;
	s0 =	simm.s32 @!p0 $0x0  }
0x12: {  	s1 =	sld [smem:$0x3F97];
	s0 =	simm.s32 @p0 $0x1  }
0x13: {  	[smem:$0x3FB2] =	sst s0;
	s0 =	simm.s32 @!p1 $0x0  }
0x14: {  	s2 =	sld [smem:$0x3F96];
	s0 =	simm.s32 @p1 $0x1  }
0x15: {  	[smem:$0x3FB3] =	sst s0;
	s0 =	simm.s32 @!p2 $0x0  }
0x16: {  	s3 =	sld [smem:$0x3FDB];
	s0 =	simm.s32 @p2 $0x1  }
0x17: {  	s4 =	simm.s32 $0x1BF5;
	[smem:$0x3FB5] =	sst s0  }
0x18: {  	s0 =	sld [smem:$0x3F98];
	_ =	swait.ge [sflag:s4], $0x0  }
0x19: {  	s7 =	sld [smem:$0x3F99]  }
0x1a: {  	s8 =	sadd.s32 $0xFFFFE003, lr  }
0x1b: {  	s9 =	sadd.s32 $0xFFFFFEF7, lr;
	s5 =	simm.s32 $0xFFFFFFFF;
	p2 =	slt.u32 s8, $0xFFFFF086  }
0x1c: {  	p1 =	slt.u32 s9, $0xF7A;
	s5 =	simm.s32 @!p2 $0x0  }
0x1d: {  	s5 =	simm.s32 @p1 $0x1;
	p0 =	seq.s32 s7, s2  }
0x1e: {  	s7 =	smul.u32 @!p0 $0xF7A, s2;
	p2 =	seq.s32 @!p0 s5, $0x0  }
0x1f: {  	s9 =	smul.u32 $0xF7A, s1;
	s8 =	simm.s32 @!p0 $0x1BF5;
	p2 =	por !p2, p0  }
0x20: {  	[sflag:s8] =	ssyncset.s32 @!p0 $0xFFFFF086;
	s6 =	sadd.s32 @!p0 s3, s7;
	s7 =	simm.s32 @!p0 $0x108  }
0x21: {  	s3 =	sadd.s32 s3, s9;
	s6 =	sadd.s32 @!p0 $0x88, s6;
	s7 =	simm.s32 @p2 $0x1082  }
0x22: {  	[simem:s7], [sflag:s8] =	dma.local @!p0 [hbm:s6], $0xF7A  }
0x23: {  	s9 =	sor.u32 $0xD0000000, s2;
	s6 =	simm.s32 $0x108;
	_ =	swait.ge @!p0 [sflag:s8], $0x0  }
0x24: {  	s3 =	sadd.s32 $0x88, s3;
	s6 =	simm.s32 @!p1 $0x1082;
	[sflag:s4] =	ssyncset.s32 $0xFFFFF086  }
0x25: {  	[simem:s6], [sflag:s4] =	dma.local [hbm:s3], $0xF7A  }
0x26: {  	[smem:$0x3F99] =	sst s1;
	(tag) =	ssettag s2;
	_ =	strace s9  }
0x27: {  	s1 =	sld [smem:$0x3FA9]  }
0x28: {  	s2 =	sld [smem:$0x3FAA]  }
0x29: {  	s4 =	sld [smem:$0x3FAC]  }
0x2a: {  	p0 =	seq.s32 s5, $0x0;
	s5 =	sld [smem:$0x3FAD]  }
0x2b: {  	s6 =	sld [smem:$0x3FAE]  }
0x2c: {  	s7 =	sld [smem:$0x3FAF]  }
0x2d: {  	s3 =	simm.s32 $0x108;
	s8 =	sld [smem:$0x3FB0]  }
0x2e: {  	s3 =	simm.s32 @!p0 $0x1082;
	s9 =	sld [smem:$0x3FB1]  }
0x2f: {  	lr =	sadd.s32 s0, s3;
	s0 =	sld [smem:$0x3FA8]  }
0x30: {  	s3 =	sld [smem:$0x3FAB]  }
0x31: {  	[smem:$0x3FB4] =	sst s10  }
0x32: {  	s10 =	sld [smem:$0x3FB2];
	_ =	sdelay $0x3  }
0x33: {  	p0 =	seq.s32 s10, $0x1;
	s10 =	sld [smem:$0x3FB4];
	_ =	sdelay $0x3  }
0x34: {  	[smem:$0x3FB4] =	sst s10  }
0x35: {  	s10 =	sld [smem:$0x3FB3];
	_ =	sdelay $0x3  }
0x36: {  	p1 =	seq.s32 s10, $0x1;
	s10 =	sld [smem:$0x3FB4];
	_ =	sdelay $0x3  }
0x37: {  	[smem:$0x3FB4] =	sst s10  }
0x38: {  	s10 =	sld [smem:$0x3FB5]  }
0x39: {  	_ = 	snop;
	(pc) =	sbr.ind lr, $3  }
0x3a: {  	_ = 	snop  }
0x3b: {  	_ = 	snop  }
0x3c: {  	p2 =	seq.s32 s10, $0x1;
	s10 =	sld [smem:$0x3FB4]  }
0x3d: {  	_ =	shalt  }
0x3e: {  	_ =	shalt  }
0x3f: {  	_ =	shalt  }
0x40: {  	_ =	shalt  }
0x41: {  	_ =	shalt  }
0x42: {  	_ =	shalt  }
0x43: {  	_ =	shalt  }
0x44: {  	_ =	shalt  }
0x45: {  	_ =	shalt  }
0x46: {  	_ =	shalt  }
0x47: {  	_ =	shalt  }
0x48: {  	_ =	shalt  }
0x49: {  	_ =	shalt  }
0x4a: {  	_ =	shalt  }
0x4b: {  	_ =	shalt  }
0x4c: {  	_ =	shalt  }
0x4d: {  	_ =	shalt  }
0x4e: {  	_ =	shalt  }
0x4f: {  	_ =	shalt  }
0x50: {  	_ =	shalt  }
0x51: {  	_ =	shalt  }
0x52: {  	_ =	shalt  }
0x53: {  	_ =	shalt  }
0x54: {  	_ =	shalt  }
0x55: {  	_ =	shalt  }
0x56: {  	_ =	shalt  }
0x57: {  	_ =	shalt  }
0x58: {  	_ =	shalt  }
0x59: {  	_ =	shalt  }
0x5a: {  	_ =	shalt  }
0x5b: {  	_ =	shalt  }
0x5c: {  	_ =	shalt  }
0x5d: {  	_ =	shalt  }
0x5e: {  	_ =	shalt  }
0x5f: {  	_ =	shalt  }
0x60: {  	_ =	shalt  }
0x61: {  	_ =	shalt  }
0x62: {  	_ =	shalt  }
0x63: {  	_ =	shalt  }
0x64: {  	_ =	shalt  }
0x65: {  	_ =	shalt  }
0x66: {  	_ =	shalt  }
0x67: {  	_ =	shalt  }
0x68: {  	_ =	shalt  }
0x69: {  	_ =	shalt  }
0x6a: {  	_ =	shalt  }
0x6b: {  	_ =	shalt  }
0x6c: {  	_ =	shalt  }
0x6d: {  	_ =	shalt  }
0x6e: {  	_ =	shalt  }
0x6f: {  	_ =	shalt  }
0x70: {  	_ =	shalt  }
0x71: {  	_ =	shalt  }
0x72: {  	_ =	shalt  }
0x73: {  	_ =	shalt  }
0x74: {  	_ =	shalt  }
0x75: {  	_ =	shalt  }
0x76: {  	_ =	shalt  }
0x77: {  	_ =	shalt  }
0x78: {  	_ =	shalt  }
0x79: {  	_ =	shalt  }
0x7a: {  	_ =	shalt  }
0x7b: {  	_ =	shalt  }
0x7c: {  	_ =	shalt  }
0x7d: {  	_ =	shalt  }
0x7e: {  	_ =	shalt  }
0x7f: {  	_ =	shalt  }
0x80: {  	_ =	shalt  }
0x81: {  	_ =	shalt  }
0x82: {  	_ =	shalt  }
0x83: {  	_ =	shalt  }
0x84: {  	_ =	shalt  }
0x85: {  	_ =	shalt  }
0x86: {  	_ =	shalt  }
0x87: {  	_ =	shalt  }
.Lfunc_end0:
.L_simem_size_0:
called_computation.1_lowered:
.L_overlay_start_0:
0x88: {  	s2 =	sld [smem:$0x3FD9]  }
0x89: {  	s3 =	sld [smem:$0x3FFE];
	_ =	sdelay $0x1  }
0x8a: {  	s1 =	srdreg.scid  }
0x8b: {  	s0 =	sand.u32 $0x1, s1  }
0x8c: {  	s16 =	sshll.u32 s0, $0xA;
	s2 =	sadd.s32 s3, s2  }
0x8d: {  	s2 =	sadd.s32 s2, s16  }
0x8e: {  	[smem:$0x3FC0] =	sst s2  }
0x8f: {  	_ = 	snop  }
0x90: {  	(tm) =	ssettm $0x1  }
0x91: {  	s17 =	sld [smem:$0x3FFB];
	_ =	sdelay $0x3  }
0x92: {  	_ =	strace s17  }
0x93: {  	s2 =	sld [smem:$0x3FFC];
	_ =	sdelay $0x3  }
0x94: {  	_ =	strace s2  }
0x95: {  	s2 =	sld [smem:$0x3FFD];
	_ =	sdelay $0x3  }
0x96: {  	_ =	strace s2  }
0x97: {  	_ =	strace $0x8FFFFFFF  }
0x98: {  	s18 =	sld [smem:$0x3FDB];
	_ =	sdelay $0x1  }
0x99: {  	s19 =	simm.s32 $_scs_section_size  }
0x9a: {  	s4 =	simm.s32 $_size__tile_overlayer_lowered;
	s5 =	simm.s32 $_tile_overlayer_lowered  }
0x9b: {  	s22 =	simm.s32 $0x1BFF;
	s21 =	sshll.u32 s5, $0x1;
	s2 =	sadd.s32 s19, s18  }
0x9c: {  	s6 =	simm.s32 $0x0;
	s20 =	sshll.u32 s4, $0x1;
	s4 =	sadd.s32 s21, s2  }
0x9d: {  	[timem:s6], [sflag:s22] =	dma.local [hbm:s4], s20  }
0x9e: {  	_ =	swait.ge [sflag:s22], s20  }
0x9f: {  	s3 =	ssub.s32 $0x0, s20;
	[sflag:s22] =	ssyncset.done $0x0  }
0xa0: {  	[sflag:s22] =	ssyncadd.s32 s3;
	_ =	sdelay $0x1  }
0xa1: {  	s23 =	simm.s32 $0x1B8B  }
0xa2: {  	_ =	swait.ge [sflag:s23], $0x1  }
0xa3: {  	[sflag:s23] =	ssyncset.done $0x0  }
0xa4: {  	s25 =	simm.s32 $0x1B8E;
	s24 =	sld [smem:$0x3FFE];
	[sflag:s23] =	ssyncadd.s32 $0xFFFFFFFF  }
0xa5: {  	s26 =	simm.s32 $execute0_lowered;
	[smem:$0x3FD2] =	sst s25  }
0xa6: {  	s4 =	sshll.u32 s26, $0x1;
	_ =	strace $0x80000049;
	[dreg:$0x1] =	wrdreg $0xFFFFFFFF  }
0xa7: {  	s28 =	simm.s32 $_size_execute0_lowered;
	s2 =	sadd.s32 s2, s4;
	[dreg:$0x0] =	wrdreg $0x0  }
0xa8: {  	s4 =	sshll.u32 s28, $0x1;
	[dreg:$0x2] =	wrdreg s2  }
0xa9: {  	[dreg:$0x3] =	wrdreg s4  }
0xaa: {  	[dreg:$0x4] =	wrdreg $0xC0  }
0xab: {  	_ =	task [dreg:s6], $0x5FFFF  }
0xac: {  	[dreg:$0x1] =	wrdreg $0xFFFFFFFF  }
0xad: {  	[dreg:$0x0] =	wrdreg $0x60  }
0xae: {  	[dreg:$0x2] =	wrdreg s24  }
0xaf: {  	[dreg:$0x3] =	wrdreg $0x0  }
0xb0: {  	[dreg:$0x4] =	wrdreg $0x9  }
0xb1: {  	_ =	task.clear_ibuf [dreg:s6], $0x5FFFF;
	_ =	strace $0x90000049  }
0xb2: {  	s29 =	simm.s32 $0x9;
	_ =	strace $0x8000004B  }
0xb3: {  	_ =	swait.ge [sflag:s29], $0x1  }
0xb4: {  	[sflag:s29] =	ssyncadd.s32 $0xFFFFFFFF  }
0xb5: {  	_ =	strace $0x9000004B  }
0xb6: {  	_ =	sfence  }
0xb7: {  	s30 =	sld [smem:$0x0];
	_ =	sdelay $0x2  }
0xb8: {  	s31 =	sshll.u32 s1, $0xD;
	s1 =	sshrl.u32 s1, $0x2  }
0xb9: {  	s3 =	sand.u32 $0x4000, s31;
	s1 =	sadd.s32 s1, s30  }
0xba: {  	s0 =	sor.u32 s3, s0;
	s1 =	sshll.u32 s1, $0x11  }
0xbb: {  	s0 =	sor.u32 s1, s0  }
0xbc: {  	s0 =	sadd.s32 $0x8F2B, s0  }
0xbd: {  	[sflag:s0] =	ssyncadd.remote.s32 $0x1  }
0xbe: {  	_ =	sfence.sel $0xFFFF  }
0xbf: {  	[dreg:$0x0] =	wrdreg $0xFFFFFFFF;
	(pc) =	sbr.abs _section_cstart, $3  }
0xc0: {  	[dreg:$0x1] =	wrdreg $0xFFFFFFFF  }
0xc1: {  	_ =	task.clear_ibuf [dreg:s6], $0x2FFFF;
	_ =	strace $0x9FFFFFFF  }
0xc2: {  	(tm) =	ssettm $0x7FFFFFFF  }
0xc3: {  	_ =	shalt  }
tec
execute0_lowered:
.L_overlay_start_1:
0x0: {  	(tag) =	ssettag $0x1  }
0x1: {  	s5 =	rddreg [dreg:$0x0]  }
0x2: {  	s2 =	rddreg [dreg:$0x1]  }
0x3: {  	s0 =	rddreg [dreg:$0x2]  }
0x4: {  	s4 =	srdreg.scid;
	s1 =	stileid.u32  }
0x5: {  	s3 =	simm.s32 $0x0;
	s15 =	simm.s32 $0x14000;
	s16 =	simm.s32 $0x15400  }
0x6: {  	s17 =	simm.s32 $0x80;
	s18 =	simm.s32 $0x16800;
	s19 =	simm.s32 $0x1A800  }
0x7: {  	s20 =	simm.s32 $0x1;
	s21 =	simm.s32 $0x2;
	s22 =	simm.s32 $0x15380  }
0x8: {  	s23 =	simm.s32 $0x16700;
	s24 =	simm.s32 $0x16780;
	s6 =	sand.u32 $0x1, s4  }
0x9: {  	s7 =	smul.u32 $0x14000, s1;
	[smem:$0x7FF] =	sst s3;
	s4 =	sadd.s32 $0x17800, s5  }
0xa: {  	s11 =	sadd.s32 $0x3800, s5;
	s10 =	smul.u32 $0x50000, s1;
	s12 =	sadd.s32 $0xD800, s5  }
0xb: {  	s31 =	sshll.u32 s1, $0x6;
	s8 =	smul.u32 $0x140000, s6;
	_ =	strace $0x8000004A  }
0xc: {  	s9 =	ssub.s32 $0x2, s6;
	s26 =	sshll.u32 s6, $0x4;
	s6 =	sor.u32 $0x1C03, s31  }
0xd: {  	s25 =	sshrl.u32 s9, $0x1;
	s28 =	sshrl.u32 s10, $0x2;
	s29 =	sor.u32 s1, s26  }
0xe: {  	s30 =	sshrl.u32 s7, $0x3;
	s8 =	sadd.s32 s7, s8;
	s9 =	ssub.s32 s9, s25  }
0xf: {  	s13 =	sadd.s32 s28, s2;
	s14 =	smul.u32 $0x500, s29;
	s8 =	sshrl.u32 s8, $0x3  }
0x10: {  	s25 =	simm.s32 $0x0;
	s13 =	sshrl.u32 s13, $0x3;
	s8 =	sadd.s32 s8, s5  }
0x11: {  	s5 =	sadd.s32 s4, s30;
	s10 =	sadd.s32 s12, s14;
	s7 =	sadd.s32 $0x8F800, s8  }
0x12: {  	s8 =	smax.u32 s9, $0x1;
	s9 =	sadd.s32 s11, s14;
	s14 =	sadd.s32 $0x280, s14  }
0x13: {  	s11 =	sadd.s32 s11, s14;
	s12 =	sadd.s32 s12, s14;
	s14 =	simm.s32 $0x3  }
.LBB2_1:
0x14: {  	[spmem:s13], [sflag:s6] =	dma.local [hbm:s5], $0x2800  }
0x15: {  	_ =	swait.ge [sflag:s14], $0x2800  }
0x16: {  	[sflag:s14] =	ssyncset.done $0x0  }
0x17: {  	[sflag:s14] =	ssyncadd.s32 $0xFFFFD800  }
0x18: {  	[bflag:$0x0] =	sbarrier.arrive $0xFFFF  }
0x19: {  	[tilespmem:s15], [sflag:$0x3] =	stream.linear.gather [hbm4b:s9+s3], $0x1400, $0x38;
	[tilespmem:$0x1E800] =	vst v63  }
0x1a: {  	_ =	swait.ge [sflag:s14], $0x1400  }
0x1b: {  	[sflag:s14] =	ssyncset.done $0x0  }
0x1c: {  	[sflag:s14] =	ssyncadd.s32 $0xFFFFEC00  }
0x1d: {  	[tilespmem:s16], [sflag:$0x3] =	stream.linear.gather [hbm4b:s10+s3], $0x1400, $0x38;
	[tilespmem:$0x1E800] =	vst v63  }
0x1e: {  	_ =	swait.ge [sflag:s14], $0x1400  }
0x1f: {  	[sflag:s14] =	ssyncset.done $0x0  }
0x20: {  	[sflag:s14] =	ssyncadd.s32 $0xFFFFEC00  }
0x21: {  	[tilespmem:s18], [sflag:$0x1] =	stream.indirect.gather [hbm4b:s4+s17], $0x80, s15, s17, $0xb8;
	[tilespmem:$0x1E800] =	vst v63  }
0x22: {  	s26 =	simm.s32 $0x14080  }
0x23: {  	[tilespmem:s19], [sflag:$0x2] =	stream.indirect.gather [hbm4b:s4+s17], $0x80, s26, s17, $0xb8;
	[tilespmem:$0x1E800] =	vst v63  }
0x24: {  	_ =	swait.ge [sflag:s20], $0x4000  }
0x25: {  	[sflag:s20] =	ssyncset.done $0x0  }
0x26: {  	s29 =	simm.s32 $0x15400;
	[sflag:s20] =	ssyncadd.s32 $0xFFFFC000  }
0x27: {  	[spmem:s2] =	stream.indirect.scatter.add.f32 [tilespmem:s18], [sflag:$0x3], $0x80, s29, s17, $0xb8;
	[tilespmem:$0x1E800] =	vst v63  }
0x28: {  	_ =	swait.ge [sflag:s14], $0x4000  }
0x29: {  	[sflag:s14] =	ssyncset.done $0x0  }
0x2a: {  	s30 =	simm.s32 $0x14100;
	[sflag:s14] =	ssyncadd.s32 $0xFFFFC000  }
0x2b: {  	[tilespmem:s18], [sflag:$0x1] =	stream.indirect.gather [hbm4b:s4+s17], $0x80, s30, s17, $0xb8;
	[tilespmem:$0x1E800] =	vst v63  }
0x2c: {  	_ =	swait.ge [sflag:s21], $0x4000  }
0x2d: {  	[sflag:s21] =	ssyncset.done $0x0  }
0x2e: {  	s31 =	simm.s32 $0x15480;
	[sflag:s21] =	ssyncadd.s32 $0xFFFFC000  }
0x2f: {  	[spmem:s2] =	stream.indirect.scatter.add.f32 [tilespmem:s19], [sflag:$0x3], $0x80, s31, s17, $0xb8;
	[tilespmem:$0x1E800] =	vst v63  }
0x30: {  	_ =	swait.ge [sflag:s14], $0x4000  }
0x31: {  	s28 =	simm.s32 $0x800;
	s26 =	simm.s32 $0x100;
	[sflag:s14] =	ssyncset.done $0x0  }
.LBB2_2:
0x32: {  	s29 =	sadd.s32 $0x14080, s26  }
0x33: {  	[sflag:s14] =	ssyncadd.s32 $0xFFFFC000;
	s30 =	smov.u32 s28;
	s31 =	sadd.s32 $0x400, s28  }
0x34: {  	[tilespmem:s19], [sflag:$0x2] =	stream.indirect.gather [hbm4b:s4+s17], $0x80, s29, s17, $0xb8;
	[tilespmem:$0x1E800] =	vst v63  }
0x35: {  	p0 =	sne.s32 s28, $0x4800;
	_ =	swait.ge [sflag:s20], $0x4000  }
0x36: {  	[sflag:s20] =	ssyncset.done $0x0  }
0x37: {  	s28 =	sadd.s32 $0x15400, s26;
	[sflag:s20] =	ssyncadd.s32 $0xFFFFC000  }
0x38: {  	[spmem:s2] =	stream.indirect.scatter.add.f32 [tilespmem:s18], [sflag:$0x3], $0x80, s28, s17, $0xb8;
	[tilespmem:$0x1E800] =	vst v63  }
0x39: {  	_ =	swait.ge [sflag:s14], $0x4000  }
0x3a: {  	[sflag:s14] =	ssyncset.done $0x0  }
0x3b: {  	s28 =	sadd.s32 $0x14100, s26;
	[sflag:s14] =	ssyncadd.s32 $0xFFFFC000  }
0x3c: {  	[tilespmem:s18], [sflag:$0x1] =	stream.indirect.gather [hbm4b:s4+s17], $0x80, s28, s17, $0xb8;
	[tilespmem:$0x1E800] =	vst v63  }
0x3d: {  	_ =	swait.ge [sflag:s21], $0x4000  }
.Ltmp0:
0x3e: {  	[sflag:s21] =	ssyncset.done $0x0;
	(pc) =	sbr.rel @p0 .LBB2_2-.Ltmp0, $4  }
0x3f: {  	s26 =	sadd.s32 $0x15480, s26;
	[sflag:s21] =	ssyncadd.s32 $0xFFFFC000  }
0x40: {  	[spmem:s2] =	stream.indirect.scatter.add.f32 [tilespmem:s19], [sflag:$0x3], $0x80, s26, s17, $0xb8;
	[tilespmem:$0x1E800] =	vst v63  }
0x41: {  	_ =	swait.ge [sflag:s14], $0x4000  }
0x42: {  	s28 =	smov.u32 s31;
	s26 =	sshra.s32 s30, $0x2;
	[sflag:s14] =	ssyncset.done $0x0  }
0x43: {  	s28 =	sadd.s32 $0x14080, s26;
	[sflag:s14] =	ssyncadd.s32 $0xFFFFC000  }
0x44: {  	[tilespmem:s19], [sflag:$0x2] =	stream.indirect.gather [hbm4b:s4+s17], $0x80, s28, s17, $0xb8;
	[tilespmem:$0x1E800] =	vst v63  }
0x45: {  	_ =	swait.ge [sflag:s20], $0x4000  }
0x46: {  	[sflag:s20] =	ssyncset.done $0x0  }
0x47: {  	s28 =	sadd.s32 $0x15400, s26;
	[sflag:s20] =	ssyncadd.s32 $0xFFFFC000  }
0x48: {  	[spmem:s2] =	stream.indirect.scatter.add.f32 [tilespmem:s18], [sflag:$0x3], $0x80, s28, s17, $0xb8;
	[tilespmem:$0x1E800] =	vst v63  }
0x49: {  	_ =	swait.ge [sflag:s14], $0x4000  }
0x4a: {  	[sflag:s14] =	ssyncset.done $0x0  }
0x4b: {  	s28 =	sadd.s32 $0x14100, s26;
	[sflag:s14] =	ssyncadd.s32 $0xFFFFC000  }
0x4c: {  	[tilespmem:s18], [sflag:$0x1] =	stream.indirect.gather [hbm4b:s4+s17], $0x80, s28, s17, $0xb8;
	[tilespmem:$0x1E800] =	vst v63  }
0x4d: {  	_ =	swait.ge [sflag:s21], $0x4000  }
0x4e: {  	[sflag:s21] =	ssyncset.done $0x0  }
0x4f: {  	s29 =	sadd.s32 $0x15480, s26;
	[sflag:s21] =	ssyncadd.s32 $0xFFFFC000  }
0x50: {  	[spmem:s2] =	stream.indirect.scatter.add.f32 [tilespmem:s19], [sflag:$0x3], $0x80, s29, s17, $0xb8;
	[tilespmem:$0x1E800] =	vst v63  }
0x51: {  	_ =	swait.ge [sflag:s14], $0x4000  }
0x52: {  	[sflag:s14] =	ssyncset.done $0x0  }
0x53: {  	[sflag:s14] =	ssyncadd.s32 $0xFFFFC000  }
0x54: {  	[tilespmem:s19], [sflag:$0x2] =	stream.indirect.gather [hbm4b:s4+s17], $0x80, s22, s17, $0xb8;
	[tilespmem:$0x1E800] =	vst v63  }
0x55: {  	_ =	swait.ge [sflag:s20], $0x4000  }
0x56: {  	[sflag:s20] =	ssyncset.done $0x0  }
0x57: {  	[sflag:s20] =	ssyncadd.s32 $0xFFFFC000  }
0x58: {  	[spmem:s2] =	stream.indirect.scatter.add.f32 [tilespmem:s18], [sflag:$0x3], $0x80, s23, s17, $0xb8;
	[tilespmem:$0x1E800] =	vst v63  }
0x59: {  	_ =	swait.ge [sflag:s14], $0x4000  }
0x5a: {  	[sflag:s14] =	ssyncset.done $0x0  }
0x5b: {  	[sflag:s14] =	ssyncadd.s32 $0xFFFFC000  }
0x5c: {  	_ =	swait.ge [sflag:s21], $0x4000  }
0x5d: {  	[sflag:s21] =	ssyncset.done $0x0  }
0x5e: {  	[sflag:s21] =	ssyncadd.s32 $0xFFFFC000  }
0x5f: {  	[spmem:s2] =	stream.indirect.scatter.add.f32 [tilespmem:s19], [sflag:$0x3], $0x80, s24, s17, $0xb8;
	[tilespmem:$0x1E800] =	vst v63  }
0x60: {  	_ =	swait.ge [sflag:s14], $0x4000  }
0x61: {  	[sflag:s14] =	ssyncset.done $0x0  }
0x62: {  	s30 =	simm.s32 $0x0;
	[sflag:s14] =	ssyncadd.s32 $0xFFFFC000  }
0x63: {  	[tilespmem:s15], [sflag:$0x3] =	stream.linear.gather [hbm4b:s11+s30], $0x1400, $0x38;
	[tilespmem:$0x1E800] =	vst v63  }
0x64: {  	_ =	swait.ge [sflag:s14], $0x1400  }
0x65: {  	[sflag:s14] =	ssyncset.done $0x0  }
0x66: {  	[sflag:s14] =	ssyncadd.s32 $0xFFFFEC00  }
0x67: {  	[tilespmem:s16], [sflag:$0x3] =	stream.linear.gather [hbm4b:s12+s30], $0x1400, $0x38;
	[tilespmem:$0x1E800] =	vst v63  }
0x68: {  	_ =	swait.ge [sflag:s14], $0x1400  }
0x69: {  	[sflag:s14] =	ssyncset.done $0x0  }
0x6a: {  	[sflag:s14] =	ssyncadd.s32 $0xFFFFEC00  }
0x6b: {  	[tilespmem:s18], [sflag:$0x1] =	stream.indirect.gather [hbm4b:s4+s17], $0x80, s15, s17, $0xb8;
	[tilespmem:$0x1E800] =	vst v63  }
0x6c: {  	s31 =	simm.s32 $0x14080  }
0x6d: {  	[tilespmem:s19], [sflag:$0x2] =	stream.indirect.gather [hbm4b:s4+s17], $0x80, s31, s17, $0xb8;
	[tilespmem:$0x1E800] =	vst v63  }
0x6e: {  	_ =	swait.ge [sflag:s20], $0x4000  }
0x6f: {  	[sflag:s20] =	ssyncset.done $0x0  }
0x70: {  	s29 =	simm.s32 $0x15400;
	[sflag:s20] =	ssyncadd.s32 $0xFFFFC000  }
0x71: {  	[spmem:s2] =	stream.indirect.scatter.add.f32 [tilespmem:s18], [sflag:$0x3], $0x80, s29, s17, $0xb8;
	[tilespmem:$0x1E800] =	vst v63  }
0x72: {  	_ =	swait.ge [sflag:s14], $0x4000  }
0x73: {  	[sflag:s14] =	ssyncset.done $0x0  }
0x74: {  	s30 =	simm.s32 $0x14100;
	[sflag:s14] =	ssyncadd.s32 $0xFFFFC000  }
0x75: {  	[tilespmem:s18], [sflag:$0x1] =	stream.indirect.gather [hbm4b:s4+s17], $0x80, s30, s17, $0xb8;
	[tilespmem:$0x1E800] =	vst v63  }
0x76: {  	_ =	swait.ge [sflag:s21], $0x4000  }
0x77: {  	[sflag:s21] =	ssyncset.done $0x0  }
0x78: {  	s31 =	simm.s32 $0x15480;
	[sflag:s21] =	ssyncadd.s32 $0xFFFFC000  }
0x79: {  	[spmem:s2] =	stream.indirect.scatter.add.f32 [tilespmem:s19], [sflag:$0x3], $0x80, s31, s17, $0xb8;
	[tilespmem:$0x1E800] =	vst v63  }
0x7a: {  	_ =	swait.ge [sflag:s14], $0x4000  }
0x7b: {  	s26 =	simm.s32 $0x100;
	s28 =	simm.s32 $0x800;
	[sflag:s14] =	ssyncset.done $0x0  }
.LBB2_4:
0x7c: {  	s29 =	sadd.s32 $0x14080, s26  }
0x7d: {  	[sflag:s14] =	ssyncadd.s32 $0xFFFFC000;
	s30 =	smov.u32 s28;
	s31 =	sadd.s32 $0x400, s28  }
0x7e: {  	[tilespmem:s19], [sflag:$0x2] =	stream.indirect.gather [hbm4b:s4+s17], $0x80, s29, s17, $0xb8;
	[tilespmem:$0x1E800] =	vst v63  }
0x7f: {  	p0 =	sne.s32 s28, $0x4800;
	_ =	swait.ge [sflag:s20], $0x4000  }
0x80: {  	[sflag:s20] =	ssyncset.done $0x0  }
0x81: {  	s28 =	sadd.s32 $0x15400, s26;
	[sflag:s20] =	ssyncadd.s32 $0xFFFFC000  }
0x82: {  	[spmem:s2] =	stream.indirect.scatter.add.f32 [tilespmem:s18], [sflag:$0x3], $0x80, s28, s17, $0xb8;
	[tilespmem:$0x1E800] =	vst v63  }
0x83: {  	_ =	swait.ge [sflag:s14], $0x4000  }
0x84: {  	[sflag:s14] =	ssyncset.done $0x0  }
0x85: {  	s28 =	sadd.s32 $0x14100, s26;
	[sflag:s14] =	ssyncadd.s32 $0xFFFFC000  }
0x86: {  	[tilespmem:s18], [sflag:$0x1] =	stream.indirect.gather [hbm4b:s4+s17], $0x80, s28, s17, $0xb8;
	[tilespmem:$0x1E800] =	vst v63  }
0x87: {  	_ =	swait.ge [sflag:s21], $0x4000  }
.Ltmp1:
0x88: {  	[sflag:s21] =	ssyncset.done $0x0;
	(pc) =	sbr.rel @p0 .LBB2_4-.Ltmp1, $4  }
0x89: {  	s26 =	sadd.s32 $0x15480, s26;
	[sflag:s21] =	ssyncadd.s32 $0xFFFFC000  }
0x8a: {  	[spmem:s2] =	stream.indirect.scatter.add.f32 [tilespmem:s19], [sflag:$0x3], $0x80, s26, s17, $0xb8;
	[tilespmem:$0x1E800] =	vst v63  }
0x8b: {  	_ =	swait.ge [sflag:s14], $0x4000  }
0x8c: {  	s28 =	smov.u32 s31;
	s26 =	sshra.s32 s30, $0x2;
	[sflag:s14] =	ssyncset.done $0x0  }
0x8d: {  	s28 =	sadd.s32 $0x14080, s26;
	[sflag:s14] =	ssyncadd.s32 $0xFFFFC000  }
0x8e: {  	[tilespmem:s19], [sflag:$0x2] =	stream.indirect.gather [hbm4b:s4+s17], $0x80, s28, s17, $0xb8;
	[tilespmem:$0x1E800] =	vst v63  }
0x8f: {  	_ =	swait.ge [sflag:s20], $0x4000  }
0x90: {  	[sflag:s20] =	ssyncset.done $0x0  }
0x91: {  	s29 =	sadd.s32 $0x15400, s26;
	[sflag:s20] =	ssyncadd.s32 $0xFFFFC000  }
0x92: {  	[spmem:s2] =	stream.indirect.scatter.add.f32 [tilespmem:s18], [sflag:$0x3], $0x80, s29, s17, $0xb8;
	[tilespmem:$0x1E800] =	vst v63  }
0x93: {  	_ =	swait.ge [sflag:s14], $0x4000  }
0x94: {  	[sflag:s14] =	ssyncset.done $0x0  }
0x95: {  	s30 =	sadd.s32 $0x14100, s26;
	[sflag:s14] =	ssyncadd.s32 $0xFFFFC000  }
0x96: {  	[tilespmem:s18], [sflag:$0x1] =	stream.indirect.gather [hbm4b:s4+s17], $0x80, s30, s17, $0xb8;
	[tilespmem:$0x1E800] =	vst v63  }
0x97: {  	_ =	swait.ge [sflag:s21], $0x4000  }
0x98: {  	[sflag:s21] =	ssyncset.done $0x0  }
0x99: {  	s31 =	sadd.s32 $0x15480, s26;
	[sflag:s21] =	ssyncadd.s32 $0xFFFFC000  }
0x9a: {  	[spmem:s2] =	stream.indirect.scatter.add.f32 [tilespmem:s19], [sflag:$0x3], $0x80, s31, s17, $0xb8;
	[tilespmem:$0x1E800] =	vst v63  }
0x9b: {  	_ =	swait.ge [sflag:s14], $0x4000  }
0x9c: {  	[sflag:s14] =	ssyncset.done $0x0  }
0x9d: {  	[sflag:s14] =	ssyncadd.s32 $0xFFFFC000  }
0x9e: {  	[tilespmem:s19], [sflag:$0x2] =	stream.indirect.gather [hbm4b:s4+s17], $0x80, s22, s17, $0xb8;
	[tilespmem:$0x1E800] =	vst v63  }
0x9f: {  	_ =	swait.ge [sflag:s20], $0x4000  }
0xa0: {  	[sflag:s20] =	ssyncset.done $0x0  }
0xa1: {  	[sflag:s20] =	ssyncadd.s32 $0xFFFFC000  }
0xa2: {  	[spmem:s2] =	stream.indirect.scatter.add.f32 [tilespmem:s18], [sflag:$0x3], $0x80, s23, s17, $0xb8;
	[tilespmem:$0x1E800] =	vst v63  }
0xa3: {  	_ =	swait.ge [sflag:s14], $0x4000  }
0xa4: {  	[sflag:s14] =	ssyncset.done $0x0  }
0xa5: {  	[sflag:s14] =	ssyncadd.s32 $0xFFFFC000  }
0xa6: {  	_ =	swait.ge [sflag:s21], $0x4000  }
0xa7: {  	[sflag:s21] =	ssyncset.done $0x0  }
0xa8: {  	[sflag:s21] =	ssyncadd.s32 $0xFFFFC000  }
0xa9: {  	[spmem:s2] =	stream.indirect.scatter.add.f32 [tilespmem:s19], [sflag:$0x3], $0x80, s24, s17, $0xb8;
	[tilespmem:$0x1E800] =	vst v63  }
0xaa: {  	_ =	swait.ge [sflag:s14], $0x4000  }
0xab: {  	s25 =	sadd.s32 $0x1, s25;
	[sflag:s14] =	ssyncset.done $0x0  }
0xac: {  	p0 =	sne.s32 s25, s8;
	[sflag:s14] =	ssyncadd.s32 $0xFFFFC000  }
.Ltmp2:
0xad: {  	[bflag:$0x0] =	sbarrier.arrive $0xFFFF;
	(pc) =	sbr.rel @p0 .LBB2_1-.Ltmp2, $4  }
0xae: {  	[hbm:s7], [sflag:s6] =	dma.local [spmem:s13], $0x2800  }
0xaf: {  	_ =	swait.ge [sflag:s14], $0x2800  }
0xb0: {  	[sflag:s14] =	ssyncset.done $0x0  }
0xb1: {  	[sflag:s14] =	ssyncadd.s32 $0xFFFFD800  }
0xb2: {  	_ =	sfence.sel $0x180000  }
0xb3: {  	[bflag:$0x0] =	sbarrier.arrive $0xFFFF  }
0xb4: {  	p0 =	sne.s32 s1, $0x0;
	_ =	strace $0x9000004A  }
0xb5: {  	s0 =	sadd.s32 @!p0 $0x100000, s0;
	[bflag:$0x2] =	sbarrier.arrive $0xFFFF  }
0xb6: {  	[sflag:s0] =	ssyncadd.tile.s32 @!p0 $0x1;
	_ =	shalt  }
.Lfunc_end2:
_tile_overlayer_lowered:
.L_overlay_start_2:
0xb7: {  	(tag) =	ssettag $0x2  }
0xb8: {  	s0 =	rddreg [dreg:$0x0];
	s2 =	stileid.u32  }
0xb9: {  	s1 =	rddreg [dreg:$0x1];
	p0 =	sne.s32 s2, $0x0  }
0xba: {  	s3 =	rddreg [dreg:$0x2];
	[bflag:$0x3] =	sbarrier.arrive $0xFFFF;
	s2 =	simm.s32 @!p0 $0x1C03  }
0xbb: {  	[timem:s3], [sflag:s2] =	dma.local @!p0 [hbm:s0], s1  }
0xbc: {  	s0 =	simm.s32 @!p0 $0x3  }
0xbd: {  	_ =	swait.ge @!p0 [sflag:s0], s1  }
0xbe: {  	s1 =	ssub.s32 @!p0 $0x0, s1;
	[sflag:s0] =	ssyncset.done @!p0 $0x0  }
0xbf: {  	[sflag:s0] =	ssyncadd.s32 @!p0 s1  }
0xc0: {  	[bflag:$0x3] =	sbarrier.arrive $0xFFFF  }
0xc1: {  	_ =	shalt  }

// kernel: kernel.15.cloned.1.call-start
scs
__scs_entry_jumppad:
0x0: {  	(pc) =	sbr.rel $0x88, $3  }
0x1: {  	(tag) =	ssettag $0x0;
	lr =	simm.s32 $0x1  }
0x2: {  	[smem:$0x3F99] =	sst lr;
	_ =	strace $0xD0000000  }
0x3: {  	_ = 	snop  }
0x4: {  	_ = 	snop  }
0x5: {  	_ = 	snop  }
0x6: {  	_ = 	snop  }
0x7: {  	_ = 	snop  }
__scs_overlays_trampoline_lowered:
0x8: {  	[smem:$0x3FA8] =	sst s0  }
0x9: {  	[smem:$0x3FA9] =	sst s1  }
0xa: {  	[smem:$0x3FAA] =	sst s2  }
0xb: {  	[smem:$0x3FAB] =	sst s3  }
0xc: {  	[smem:$0x3FAC] =	sst s4  }
0xd: {  	[smem:$0x3FAD] =	sst s5  }
0xe: {  	[smem:$0x3FAE] =	sst s6  }
0xf: {  	[smem:$0x3FAF] =	sst s7  }
0x10: {  	[smem:$0x3FB0] =	sst s8  }
0x11: {  	[smem:$0x3FB1] =	sst s9;
	s0 =	simm.s32 @!p0 $0x0  }
0x12: {  	s1 =	sld [smem:$0x3F97];
	s0 =	simm.s32 @p0 $0x1  }
0x13: {  	[smem:$0x3FB2] =	sst s0;
	s0 =	simm.s32 @!p1 $0x0  }
0x14: {  	s2 =	sld [smem:$0x3F96];
	s0 =	simm.s32 @p1 $0x1  }
0x15: {  	[smem:$0x3FB3] =	sst s0;
	s0 =	simm.s32 @!p2 $0x0  }
0x16: {  	s3 =	sld [smem:$0x3FDB];
	s0 =	simm.s32 @p2 $0x1  }
0x17: {  	s4 =	simm.s32 $0x1BF5;
	[smem:$0x3FB5] =	sst s0  }
0x18: {  	s0 =	sld [smem:$0x3F98];
	_ =	swait.ge [sflag:s4], $0x0  }
0x19: {  	s7 =	sld [smem:$0x3F99]  }
0x1a: {  	s8 =	sadd.s32 $0xFFFFE003, lr  }
0x1b: {  	s9 =	sadd.s32 $0xFFFFFEF7, lr;
	s5 =	simm.s32 $0xFFFFFFFF;
	p2 =	slt.u32 s8, $0xFFFFF086  }
0x1c: {  	p1 =	slt.u32 s9, $0xF7A;
	s5 =	simm.s32 @!p2 $0x0  }
0x1d: {  	s5 =	simm.s32 @p1 $0x1;
	p0 =	seq.s32 s7, s2  }
0x1e: {  	s7 =	smul.u32 @!p0 $0xF7A, s2;
	p2 =	seq.s32 @!p0 s5, $0x0  }
0x1f: {  	s9 =	smul.u32 $0xF7A, s1;
	s8 =	simm.s32 @!p0 $0x1BF5;
	p2 =	por !p2, p0  }
0x20: {  	[sflag:s8] =	ssyncset.s32 @!p0 $0xFFFFF086;
	s6 =	sadd.s32 @!p0 s3, s7;
	s7 =	simm.s32 @!p0 $0x108  }
0x21: {  	s3 =	sadd.s32 s3, s9;
	s6 =	sadd.s32 @!p0 $0x88, s6;
	s7 =	simm.s32 @p2 $0x1082  }
0x22: {  	[simem:s7], [sflag:s8] =	dma.local @!p0 [hbm:s6], $0xF7A  }
0x23: {  	s9 =	sor.u32 $0xD0000000, s2;
	s6 =	simm.s32 $0x108;
	_ =	swait.ge @!p0 [sflag:s8], $0x0  }
0x24: {  	s3 =	sadd.s32 $0x88, s3;
	s6 =	simm.s32 @!p1 $0x1082;
	[sflag:s4] =	ssyncset.s32 $0xFFFFF086  }
0x25: {  	[simem:s6], [sflag:s4] =	dma.local [hbm:s3], $0xF7A  }
0x26: {  	[smem:$0x3F99] =	sst s1;
	(tag) =	ssettag s2;
	_ =	strace s9  }
0x27: {  	s1 =	sld [smem:$0x3FA9]  }
0x28: {  	s2 =	sld [smem:$0x3FAA]  }
0x29: {  	s4 =	sld [smem:$0x3FAC]  }
0x2a: {  	p0 =	seq.s32 s5, $0x0;
	s5 =	sld [smem:$0x3FAD]  }
0x2b: {  	s6 =	sld [smem:$0x3FAE]  }
0x2c: {  	s7 =	sld [smem:$0x3FAF]  }
0x2d: {  	s3 =	simm.s32 $0x108;
	s8 =	sld [smem:$0x3FB0]  }
0x2e: {  	s3 =	simm.s32 @!p0 $0x1082;
	s9 =	sld [smem:$0x3FB1]  }
0x2f: {  	lr =	sadd.s32 s0, s3;
	s0 =	sld [smem:$0x3FA8]  }
0x30: {  	s3 =	sld [smem:$0x3FAB]  }
0x31: {  	[smem:$0x3FB4] =	sst s10  }
0x32: {  	s10 =	sld [smem:$0x3FB2];
	_ =	sdelay $0x3  }
0x33: {  	p0 =	seq.s32 s10, $0x1;
	s10 =	sld [smem:$0x3FB4];
	_ =	sdelay $0x3  }
0x34: {  	[smem:$0x3FB4] =	sst s10  }
0x35: {  	s10 =	sld [smem:$0x3FB3];
	_ =	sdelay $0x3  }
0x36: {  	p1 =	seq.s32 s10, $0x1;
	s10 =	sld [smem:$0x3FB4];
	_ =	sdelay $0x3  }
0x37: {  	[smem:$0x3FB4] =	sst s10  }
0x38: {  	s10 =	sld [smem:$0x3FB5]  }
0x39: {  	_ = 	snop;
	(pc) =	sbr.ind lr, $3  }
0x3a: {  	_ = 	snop  }
0x3b: {  	_ = 	snop  }
0x3c: {  	p2 =	seq.s32 s10, $0x1;
	s10 =	sld [smem:$0x3FB4]  }
0x3d: {  	_ =	shalt  }
0x3e: {  	_ =	shalt  }
0x3f: {  	_ =	shalt  }
0x40: {  	_ =	shalt  }
0x41: {  	_ =	shalt  }
0x42: {  	_ =	shalt  }
0x43: {  	_ =	shalt  }
0x44: {  	_ =	shalt  }
0x45: {  	_ =	shalt  }
0x46: {  	_ =	shalt  }
0x47: {  	_ =	shalt  }
0x48: {  	_ =	shalt  }
0x49: {  	_ =	shalt  }
0x4a: {  	_ =	shalt  }
0x4b: {  	_ =	shalt  }
0x4c: {  	_ =	shalt  }
0x4d: {  	_ =	shalt  }
0x4e: {  	_ =	shalt  }
0x4f: {  	_ =	shalt  }
0x50: {  	_ =	shalt  }
0x51: {  	_ =	shalt  }
0x52: {  	_ =	shalt  }
0x53: {  	_ =	shalt  }
0x54: {  	_ =	shalt  }
0x55: {  	_ =	shalt  }
0x56: {  	_ =	shalt  }
0x57: {  	_ =	shalt  }
0x58: {  	_ =	shalt  }
0x59: {  	_ =	shalt  }
0x5a: {  	_ =	shalt  }
0x5b: {  	_ =	shalt  }
0x5c: {  	_ =	shalt  }
0x5d: {  	_ =	shalt  }
0x5e: {  	_ =	shalt  }
0x5f: {  	_ =	shalt  }
0x60: {  	_ =	shalt  }
0x61: {  	_ =	shalt  }
0x62: {  	_ =	shalt  }
0x63: {  	_ =	shalt  }
0x64: {  	_ =	shalt  }
0x65: {  	_ =	shalt  }
0x66: {  	_ =	shalt  }
0x67: {  	_ =	shalt  }
0x68: {  	_ =	shalt  }
0x69: {  	_ =	shalt  }
0x6a: {  	_ =	shalt  }
0x6b: {  	_ =	shalt  }
0x6c: {  	_ =	shalt  }
0x6d: {  	_ =	shalt  }
0x6e: {  	_ =	shalt  }
0x6f: {  	_ =	shalt  }
0x70: {  	_ =	shalt  }
0x71: {  	_ =	shalt  }
0x72: {  	_ =	shalt  }
0x73: {  	_ =	shalt  }
0x74: {  	_ =	shalt  }
0x75: {  	_ =	shalt  }
0x76: {  	_ =	shalt  }
0x77: {  	_ =	shalt  }
0x78: {  	_ =	shalt  }
0x79: {  	_ =	shalt  }
0x7a: {  	_ =	shalt  }
0x7b: {  	_ =	shalt  }
0x7c: {  	_ =	shalt  }
0x7d: {  	_ =	shalt  }
0x7e: {  	_ =	shalt  }
0x7f: {  	_ =	shalt  }
0x80: {  	_ =	shalt  }
0x81: {  	_ =	shalt  }
0x82: {  	_ =	shalt  }
0x83: {  	_ =	shalt  }
0x84: {  	_ =	shalt  }
0x85: {  	_ =	shalt  }
0x86: {  	_ =	shalt  }
0x87: {  	_ =	shalt  }
.Lfunc_end0:
.L_simem_size_0:
called_computation.2_lowered:
.L_overlay_start_0:
0x88: {  	s2 =	sld [smem:$0x3FD9]  }
0x89: {  	s3 =	sld [smem:$0x3FFE];
	_ =	sdelay $0x1  }
0x8a: {  	s1 =	srdreg.scid  }
0x8b: {  	s0 =	sand.u32 $0x1, s1  }
0x8c: {  	s16 =	sshll.u32 s0, $0xA;
	s2 =	sadd.s32 s3, s2  }
0x8d: {  	s2 =	sadd.s32 s2, s16  }
0x8e: {  	[smem:$0x3FC0] =	sst s2  }
0x8f: {  	_ = 	snop  }
0x90: {  	(tm) =	ssettm $0x1  }
0x91: {  	s17 =	sld [smem:$0x3FFB];
	_ =	sdelay $0x3  }
0x92: {  	_ =	strace s17  }
0x93: {  	s2 =	sld [smem:$0x3FFC];
	_ =	sdelay $0x3  }
0x94: {  	_ =	strace s2  }
0x95: {  	s2 =	sld [smem:$0x3FFD];
	_ =	sdelay $0x3  }
0x96: {  	_ =	strace s2  }
0x97: {  	_ =	strace $0x8FFFFFFF  }
0x98: {  	s18 =	sld [smem:$0x3FDB];
	_ =	sdelay $0x1  }
0x99: {  	s19 =	simm.s32 $_scs_section_size  }
0x9a: {  	s4 =	simm.s32 $_size__tile_overlayer_lowered;
	s5 =	simm.s32 $_tile_overlayer_lowered  }
0x9b: {  	s22 =	simm.s32 $0x1BFF;
	s21 =	sshll.u32 s5, $0x1;
	s2 =	sadd.s32 s19, s18  }
0x9c: {  	s6 =	simm.s32 $0x0;
	s20 =	sshll.u32 s4, $0x1;
	s4 =	sadd.s32 s21, s2  }
0x9d: {  	[timem:s6], [sflag:s22] =	dma.local [hbm:s4], s20  }
0x9e: {  	_ =	swait.ge [sflag:s22], s20  }
0x9f: {  	s3 =	ssub.s32 $0x0, s20;
	[sflag:s22] =	ssyncset.done $0x0  }
0xa0: {  	[sflag:s22] =	ssyncadd.s32 s3;
	_ =	sdelay $0x1  }
0xa1: {  	s23 =	simm.s32 $0x1B8B  }
0xa2: {  	_ =	swait.ge [sflag:s23], $0x1  }
0xa3: {  	[sflag:s23] =	ssyncset.done $0x0  }
0xa4: {  	s25 =	simm.s32 $0x1B8E;
	s24 =	sld [smem:$0x3FFE];
	[sflag:s23] =	ssyncadd.s32 $0xFFFFFFFF  }
0xa5: {  	s26 =	simm.s32 $execute0_lowered;
	[smem:$0x3FD2] =	sst s25  }
0xa6: {  	s4 =	sshll.u32 s26, $0x1;
	_ =	strace $0x8000004C;
	[dreg:$0x1] =	wrdreg $0xFFFFFFFF  }
0xa7: {  	s28 =	simm.s32 $_size_execute0_lowered;
	s2 =	sadd.s32 s2, s4;
	[dreg:$0x0] =	wrdreg $0x0  }
0xa8: {  	s4 =	sshll.u32 s28, $0x1;
	[dreg:$0x2] =	wrdreg s2  }
0xa9: {  	[dreg:$0x3] =	wrdreg s4  }
0xaa: {  	[dreg:$0x4] =	wrdreg $0xC0  }
0xab: {  	_ =	task [dreg:s6], $0x5FFFF  }
0xac: {  	[dreg:$0x1] =	wrdreg $0xFFFFFFFF  }
0xad: {  	[dreg:$0x0] =	wrdreg $0x60  }
0xae: {  	[dreg:$0x2] =	wrdreg s24  }
0xaf: {  	[dreg:$0x3] =	wrdreg $0x0  }
0xb0: {  	[dreg:$0x4] =	wrdreg $0x9  }
0xb1: {  	_ =	task.clear_ibuf [dreg:s6], $0x5FFFF;
	_ =	strace $0x9000004C  }
0xb2: {  	s29 =	simm.s32 $0x9;
	_ =	strace $0x8000004E  }
0xb3: {  	_ =	swait.ge [sflag:s29], $0x1  }
0xb4: {  	[sflag:s29] =	ssyncadd.s32 $0xFFFFFFFF  }
0xb5: {  	_ =	strace $0x9000004E  }
0xb6: {  	_ =	sfence  }
0xb7: {  	s30 =	sld [smem:$0x0];
	_ =	sdelay $0x2  }
0xb8: {  	s31 =	sshll.u32 s1, $0xD;
	s1 =	sshrl.u32 s1, $0x2  }
0xb9: {  	s3 =	sand.u32 $0x4000, s31;
	s1 =	sadd.s32 s1, s30  }
0xba: {  	s0 =	sor.u32 s3, s0;
	s1 =	sshll.u32 s1, $0x11  }
0xbb: {  	s0 =	sor.u32 s1, s0  }
0xbc: {  	s0 =	sadd.s32 $0x8F2B, s0  }
0xbd: {  	[sflag:s0] =	ssyncadd.remote.s32 $0x1  }
0xbe: {  	_ =	sfence.sel $0xFFFF  }
0xbf: {  	[dreg:$0x0] =	wrdreg $0xFFFFFFFF;
	(pc) =	sbr.abs _section_cstart, $3  }
0xc0: {  	[dreg:$0x1] =	wrdreg $0xFFFFFFFF  }
0xc1: {  	_ =	task.clear_ibuf [dreg:s6], $0x2FFFF;
	_ =	strace $0x9FFFFFFF  }
0xc2: {  	(tm) =	ssettm $0x7FFFFFFF  }
0xc3: {  	_ =	shalt  }
tec
execute0_lowered:
.L_overlay_start_1:
0x0: {  	(tag) =	ssettag $0x1  }
0x1: {  	s0 =	srdreg.scid;
	s6 =	rddreg [dreg:$0x0]  }
0x2: {  	s2 =	rddreg [dreg:$0x1];
	s3 =	simm.s32 $0x0;
	s1 =	stileid.u32  }
0x3: {  	s14 =	simm.s32 $0x14000;
	s15 =	simm.s32 $0x15400;
	s16 =	simm.s32 $0x80  }
0x4: {  	s17 =	simm.s32 $0x16800;
	s18 =	simm.s32 $0x1A800;
	s19 =	simm.s32 $0x1  }
0x5: {  	s20 =	simm.s32 $0x2;
	s21 =	simm.s32 $0x15380;
	s22 =	simm.s32 $0x16700  }
0x6: {  	s7 =	sand.u32 $0x1, s0;
	s0 =	rddreg [dreg:$0x2];
	s9 =	smul.u32 $0x14000, s1  }
0x7: {  	s23 =	simm.s32 $0x16780;
	[smem:$0x7FF] =	sst s3;
	s12 =	smul.u32 $0x50000, s1  }
0x8: {  	s5 =	sadd.s32 $0xD800, s6;
	s8 =	smul.u32 $0x140000, s7;
	s7 =	ssub.s32 $0x2, s7  }
0x9: {  	s31 =	sshll.u32 s1, $0x6;
	_ =	strace $0x8000004D;
	s11 =	sshrl.u32 s7, $0x1  }
0xa: {  	s30 =	sshrl.u32 s12, $0x2;
	s4 =	sshrl.u32 s8, $0x3;
	s8 =	sadd.s32 s9, s8  }
0xb: {  	s11 =	ssub.s32 s7, s11;
	s9 =	sshrl.u32 s9, $0x3;
	s12 =	sadd.s32 s30, s2  }
0xc: {  	s10 =	sadd.s32 s4, s6;
	s4 =	sadd.s32 $0x3800, s6;
	s8 =	sshrl.u32 s8, $0x3  }
0xd: {  	s11 =	smax.u32 s11, $0x1;
	s12 =	sshrl.u32 s12, $0x3;
	s7 =	sadd.s32 $0x8F800, s10  }
0xe: {  	s13 =	sadd.s32 s8, s6;
	s6 =	smul.u32 $0xA0, s1;
	s8 =	sadd.s32 s9, s7  }
0xf: {  	s9 =	sor.u32 $0x1C03, s31;
	s10 =	sadd.s32 $0xDF800, s13;
	s13 =	simm.s32 $0x3  }
.LBB2_1:
0x10: {  	[spmem:s12], [sflag:s9] =	dma.local [hbm:s8], $0x2800  }
0x11: {  	_ =	swait.ge [sflag:s13], $0x2800  }
0x12: {  	[sflag:s13] =	ssyncset.done $0x0  }
0x13: {  	[sflag:s13] =	ssyncadd.s32 $0xFFFFD800  }
0x14: {  	s24 =	simm.s32 $0x0;
	[bflag:$0x0] =	sbarrier.arrive $0xFFFF  }
.LBB2_2:
0x15: {  	s25 =	smul.u32 $0x28, s24;
	_ =	sdelay $0x1  }
0x16: {  	s25 =	sadd.s32 s6, s25  }
0x17: {  	s25 =	sshll.u32 s25, $0x4  }
0x18: {  	s28 =	simm.s32 $0x0;
	s26 =	sadd.s32 s4, s25  }
0x19: {  	[tilespmem:s14], [sflag:$0x3] =	stream.linear.gather [hbm4b:s26+s28], $0x1400, $0x38;
	[tilespmem:$0x1E800] =	vst v63  }
0x1a: {  	_ =	swait.ge [sflag:s13], $0x1400  }
0x1b: {  	[sflag:s13] =	ssyncset.done $0x0  }
0x1c: {  	s25 =	sadd.s32 s5, s25;
	[sflag:s13] =	ssyncadd.s32 $0xFFFFEC00  }
0x1d: {  	[tilespmem:s15], [sflag:$0x3] =	stream.linear.gather [hbm4b:s25+s28], $0x1400, $0x38;
	[tilespmem:$0x1E800] =	vst v63  }
0x1e: {  	_ =	swait.ge [sflag:s13], $0x1400  }
0x1f: {  	[sflag:s13] =	ssyncset.done $0x0  }
0x20: {  	[sflag:s13] =	ssyncadd.s32 $0xFFFFEC00  }
0x21: {  	[tilespmem:s17], [sflag:$0x1] =	stream.indirect.gather [hbm4b:s7+s16], $0x80, s14, s16, $0xb8;
	[tilespmem:$0x1E800] =	vst v63  }
0x22: {  	s28 =	simm.s32 $0x14080  }
0x23: {  	[tilespmem:s18], [sflag:$0x2] =	stream.indirect.gather [hbm4b:s7+s16], $0x80, s28, s16, $0xb8;
	[tilespmem:$0x1E800] =	vst v63  }
0x24: {  	_ =	swait.ge [sflag:s19], $0x4000  }
0x25: {  	[sflag:s19] =	ssyncset.done $0x0  }
0x26: {  	s29 =	simm.s32 $0x15400;
	[sflag:s19] =	ssyncadd.s32 $0xFFFFC000  }
0x27: {  	[spmem:s2] =	stream.indirect.scatter.add.f32 [tilespmem:s17], [sflag:$0x3], $0x80, s29, s16, $0xb8;
	[tilespmem:$0x1E800] =	vst v63  }
0x28: {  	_ =	swait.ge [sflag:s13], $0x4000  }
0x29: {  	[sflag:s13] =	ssyncset.done $0x0  }
0x2a: {  	s30 =	simm.s32 $0x14100;
	[sflag:s13] =	ssyncadd.s32 $0xFFFFC000  }
0x2b: {  	[tilespmem:s17], [sflag:$0x1] =	stream.indirect.gather [hbm4b:s7+s16], $0x80, s30, s16, $0xb8;
	[tilespmem:$0x1E800] =	vst v63  }
0x2c: {  	_ =	swait.ge [sflag:s20], $0x4000  }
0x2d: {  	[sflag:s20] =	ssyncset.done $0x0  }
0x2e: {  	s31 =	simm.s32 $0x15480;
	[sflag:s20] =	ssyncadd.s32 $0xFFFFC000  }
0x2f: {  	[spmem:s2] =	stream.indirect.scatter.add.f32 [tilespmem:s18], [sflag:$0x3], $0x80, s31, s16, $0xb8;
	[tilespmem:$0x1E800] =	vst v63  }
0x30: {  	_ =	swait.ge [sflag:s13], $0x4000  }
0x31: {  	s26 =	simm.s32 $0x800;
	s25 =	simm.s32 $0x100;
	[sflag:s13] =	ssyncset.done $0x0  }
.LBB2_3:
0x32: {  	s28 =	sadd.s32 $0x14080, s25  }
0x33: {  	[sflag:s13] =	ssyncadd.s32 $0xFFFFC000;
	s29 =	smov.u32 s26;
	s30 =	sadd.s32 $0x400, s26  }
0x34: {  	[tilespmem:s18], [sflag:$0x2] =	stream.indirect.gather [hbm4b:s7+s16], $0x80, s28, s16, $0xb8;
	[tilespmem:$0x1E800] =	vst v63  }
0x35: {  	p0 =	sne.s32 s26, $0x4800;
	_ =	swait.ge [sflag:s19], $0x4000  }
0x36: {  	[sflag:s19] =	ssyncset.done $0x0  }
0x37: {  	s26 =	sadd.s32 $0x15400, s25;
	[sflag:s19] =	ssyncadd.s32 $0xFFFFC000  }
0x38: {  	[spmem:s2] =	stream.indirect.scatter.add.f32 [tilespmem:s17], [sflag:$0x3], $0x80, s26, s16, $0xb8;
	[tilespmem:$0x1E800] =	vst v63  }
0x39: {  	_ =	swait.ge [sflag:s13], $0x4000  }
0x3a: {  	[sflag:s13] =	ssyncset.done $0x0  }
0x3b: {  	s26 =	sadd.s32 $0x14100, s25;
	[sflag:s13] =	ssyncadd.s32 $0xFFFFC000  }
0x3c: {  	[tilespmem:s17], [sflag:$0x1] =	stream.indirect.gather [hbm4b:s7+s16], $0x80, s26, s16, $0xb8;
	[tilespmem:$0x1E800] =	vst v63  }
0x3d: {  	_ =	swait.ge [sflag:s20], $0x4000  }
.Ltmp0:
0x3e: {  	[sflag:s20] =	ssyncset.done $0x0;
	(pc) =	sbr.rel @p0 .LBB2_3-.Ltmp0, $4  }
0x3f: {  	s25 =	sadd.s32 $0x15480, s25;
	[sflag:s20] =	ssyncadd.s32 $0xFFFFC000  }
0x40: {  	[spmem:s2] =	stream.indirect.scatter.add.f32 [tilespmem:s18], [sflag:$0x3], $0x80, s25, s16, $0xb8;
	[tilespmem:$0x1E800] =	vst v63  }
0x41: {  	_ =	swait.ge [sflag:s13], $0x4000  }
0x42: {  	s26 =	smov.u32 s30;
	s25 =	sshra.s32 s29, $0x2;
	[sflag:s13] =	ssyncset.done $0x0  }
0x43: {  	s26 =	sadd.s32 $0x14080, s25;
	[sflag:s13] =	ssyncadd.s32 $0xFFFFC000  }
0x44: {  	[tilespmem:s18], [sflag:$0x2] =	stream.indirect.gather [hbm4b:s7+s16], $0x80, s26, s16, $0xb8;
	[tilespmem:$0x1E800] =	vst v63  }
0x45: {  	_ =	swait.ge [sflag:s19], $0x4000  }
0x46: {  	[sflag:s19] =	ssyncset.done $0x0  }
0x47: {  	s29 =	sadd.s32 $0x15400, s25;
	[sflag:s19] =	ssyncadd.s32 $0xFFFFC000  }
0x48: {  	[spmem:s2] =	stream.indirect.scatter.add.f32 [tilespmem:s17], [sflag:$0x3], $0x80, s29, s16, $0xb8;
	[tilespmem:$0x1E800] =	vst v63  }
0x49: {  	_ =	swait.ge [sflag:s13], $0x4000  }
0x4a: {  	[sflag:s13] =	ssyncset.done $0x0  }
0x4b: {  	s30 =	sadd.s32 $0x14100, s25;
	[sflag:s13] =	ssyncadd.s32 $0xFFFFC000  }
0x4c: {  	[tilespmem:s17], [sflag:$0x1] =	stream.indirect.gather [hbm4b:s7+s16], $0x80, s30, s16, $0xb8;
	[tilespmem:$0x1E800] =	vst v63  }
0x4d: {  	_ =	swait.ge [sflag:s20], $0x4000  }
0x4e: {  	[sflag:s20] =	ssyncset.done $0x0  }
0x4f: {  	s31 =	sadd.s32 $0x15480, s25;
	[sflag:s20] =	ssyncadd.s32 $0xFFFFC000  }
0x50: {  	[spmem:s2] =	stream.indirect.scatter.add.f32 [tilespmem:s18], [sflag:$0x3], $0x80, s31, s16, $0xb8;
	[tilespmem:$0x1E800] =	vst v63  }
0x51: {  	_ =	swait.ge [sflag:s13], $0x4000  }
0x52: {  	[sflag:s13] =	ssyncset.done $0x0  }
0x53: {  	[sflag:s13] =	ssyncadd.s32 $0xFFFFC000  }
0x54: {  	[tilespmem:s18], [sflag:$0x2] =	stream.indirect.gather [hbm4b:s7+s16], $0x80, s21, s16, $0xb8;
	[tilespmem:$0x1E800] =	vst v63  }
0x55: {  	_ =	swait.ge [sflag:s19], $0x4000  }
0x56: {  	[sflag:s19] =	ssyncset.done $0x0  }
0x57: {  	[sflag:s19] =	ssyncadd.s32 $0xFFFFC000  }
0x58: {  	[spmem:s2] =	stream.indirect.scatter.add.f32 [tilespmem:s17], [sflag:$0x3], $0x80, s22, s16, $0xb8;
	[tilespmem:$0x1E800] =	vst v63  }
0x59: {  	_ =	swait.ge [sflag:s13], $0x4000  }
0x5a: {  	[sflag:s13] =	ssyncset.done $0x0  }
0x5b: {  	[sflag:s13] =	ssyncadd.s32 $0xFFFFC000  }
0x5c: {  	s24 =	sadd.s32 $0x1, s24;
	_ =	swait.ge [sflag:s20], $0x4000  }
0x5d: {  	p0 =	sne.s32 s24, $0x4;
	[sflag:s20] =	ssyncset.done $0x0  }
.Ltmp1:
0x5e: {  	[sflag:s20] =	ssyncadd.s32 $0xFFFFC000;
	(pc) =	sbr.rel @p0 .LBB2_2-.Ltmp1, $4  }
0x5f: {  	[spmem:s2] =	stream.indirect.scatter.add.f32 [tilespmem:s18], [sflag:$0x3], $0x80, s23, s16, $0xb8;
	[tilespmem:$0x1E800] =	vst v63  }
0x60: {  	_ =	swait.ge [sflag:s13], $0x4000  }
0x61: {  	[sflag:s13] =	ssyncset.done $0x0  }
0x62: {  	[sflag:s13] =	ssyncadd.s32 $0xFFFFC000  }
0x63: {  	s3 =	sadd.s32 $0x1, s3  }
0x64: {  	p0 =	sne.s32 s3, s11  }
.Ltmp2:
0x65: {  	[bflag:$0x0] =	sbarrier.arrive $0xFFFF;
	(pc) =	sbr.rel @p0 .LBB2_1-.Ltmp2, $4  }
0x66: {  	[hbm:s10], [sflag:s9] =	dma.local [spmem:s12], $0x2800  }
0x67: {  	_ =	swait.ge [sflag:s13], $0x2800  }
0x68: {  	[sflag:s13] =	ssyncset.done $0x0  }
0x69: {  	[sflag:s13] =	ssyncadd.s32 $0xFFFFD800  }
0x6a: {  	_ =	sfence.sel $0x180000  }
0x6b: {  	[bflag:$0x0] =	sbarrier.arrive $0xFFFF  }
0x6c: {  	p0 =	sne.s32 s1, $0x0;
	_ =	strace $0x9000004D  }
0x6d: {  	s0 =	sadd.s32 @!p0 $0x100000, s0;
	[bflag:$0x2] =	sbarrier.arrive $0xFFFF  }
0x6e: {  	[sflag:s0] =	ssyncadd.tile.s32 @!p0 $0x1;
	_ =	shalt  }
.Lfunc_end2:
_tile_overlayer_lowered:
.L_overlay_start_2:
0x6f: {  	(tag) =	ssettag $0x2  }
0x70: {  	s0 =	rddreg [dreg:$0x0];
	s2 =	stileid.u32  }
0x71: {  	s1 =	rddreg [dreg:$0x1];
	p0 =	sne.s32 s2, $0x0  }
0x72: {  	s3 =	rddreg [dreg:$0x2];
	[bflag:$0x3] =	sbarrier.arrive $0xFFFF;
	s2 =	simm.s32 @!p0 $0x1C03  }
0x73: {  	[timem:s3], [sflag:s2] =	dma.local @!p0 [hbm:s0], s1  }
0x74: {  	s0 =	simm.s32 @!p0 $0x3  }
0x75: {  	_ =	swait.ge @!p0 [sflag:s0], s1  }
0x76: {  	s1 =	ssub.s32 @!p0 $0x0, s1;
	[sflag:s0] =	ssyncset.done @!p0 $0x0  }
0x77: {  	[sflag:s0] =	ssyncadd.s32 @!p0 s1  }
0x78: {  	[bflag:$0x3] =	sbarrier.arrive $0xFFFF  }
0x79: {  	_ =	shalt  }

// kernel: kernel.9.cloned.1.call-start
scs
__scs_entry_jumppad:
0x0: {  	(pc) =	sbr.rel $0x88, $3  }
0x1: {  	(tag) =	ssettag $0x0;
	lr =	simm.s32 $0x1  }
0x2: {  	[smem:$0x3F99] =	sst lr;
	_ =	strace $0xD0000000  }
0x3: {  	_ = 	snop  }
0x4: {  	_ = 	snop  }
0x5: {  	_ = 	snop  }
0x6: {  	_ = 	snop  }
0x7: {  	_ = 	snop  }
__scs_overlays_trampoline_lowered:
0x8: {  	[smem:$0x3FA8] =	sst s0  }
0x9: {  	[smem:$0x3FA9] =	sst s1  }
0xa: {  	[smem:$0x3FAA] =	sst s2  }
0xb: {  	[smem:$0x3FAB] =	sst s3  }
0xc: {  	[smem:$0x3FAC] =	sst s4  }
0xd: {  	[smem:$0x3FAD] =	sst s5  }
0xe: {  	[smem:$0x3FAE] =	sst s6  }
0xf: {  	[smem:$0x3FAF] =	sst s7  }
0x10: {  	[smem:$0x3FB0] =	sst s8  }
0x11: {  	[smem:$0x3FB1] =	sst s9;
	s0 =	simm.s32 @!p0 $0x0  }
0x12: {  	s1 =	sld [smem:$0x3F97];
	s0 =	simm.s32 @p0 $0x1  }
0x13: {  	[smem:$0x3FB2] =	sst s0;
	s0 =	simm.s32 @!p1 $0x0  }
0x14: {  	s2 =	sld [smem:$0x3F96];
	s0 =	simm.s32 @p1 $0x1  }
0x15: {  	[smem:$0x3FB3] =	sst s0;
	s0 =	simm.s32 @!p2 $0x0  }
0x16: {  	s3 =	sld [smem:$0x3FDB];
	s0 =	simm.s32 @p2 $0x1  }
0x17: {  	s4 =	simm.s32 $0x1BF5;
	[smem:$0x3FB5] =	sst s0  }
0x18: {  	s0 =	sld [smem:$0x3F98];
	_ =	swait.ge [sflag:s4], $0x0  }
0x19: {  	s7 =	sld [smem:$0x3F99]  }
0x1a: {  	s8 =	sadd.s32 $0xFFFFE003, lr  }
0x1b: {  	s9 =	sadd.s32 $0xFFFFFEF7, lr;
	s5 =	simm.s32 $0xFFFFFFFF;
	p2 =	slt.u32 s8, $0xFFFFF086  }
0x1c: {  	p1 =	slt.u32 s9, $0xF7A;
	s5 =	simm.s32 @!p2 $0x0  }
0x1d: {  	s5 =	simm.s32 @p1 $0x1;
	p0 =	seq.s32 s7, s2  }
0x1e: {  	s7 =	smul.u32 @!p0 $0xF7A, s2;
	p2 =	seq.s32 @!p0 s5, $0x0  }
0x1f: {  	s9 =	smul.u32 $0xF7A, s1;
	s8 =	simm.s32 @!p0 $0x1BF5;
	p2 =	por !p2, p0  }
0x20: {  	[sflag:s8] =	ssyncset.s32 @!p0 $0xFFFFF086;
	s6 =	sadd.s32 @!p0 s3, s7;
	s7 =	simm.s32 @!p0 $0x108  }
0x21: {  	s3 =	sadd.s32 s3, s9;
	s6 =	sadd.s32 @!p0 $0x88, s6;
	s7 =	simm.s32 @p2 $0x1082  }
0x22: {  	[simem:s7], [sflag:s8] =	dma.local @!p0 [hbm:s6], $0xF7A  }
0x23: {  	s9 =	sor.u32 $0xD0000000, s2;
	s6 =	simm.s32 $0x108;
	_ =	swait.ge @!p0 [sflag:s8], $0x0  }
0x24: {  	s3 =	sadd.s32 $0x88, s3;
	s6 =	simm.s32 @!p1 $0x1082;
	[sflag:s4] =	ssyncset.s32 $0xFFFFF086  }
0x25: {  	[simem:s6], [sflag:s4] =	dma.local [hbm:s3], $0xF7A  }
0x26: {  	[smem:$0x3F99] =	sst s1;
	(tag) =	ssettag s2;
	_ =	strace s9  }
0x27: {  	s1 =	sld [smem:$0x3FA9]  }
0x28: {  	s2 =	sld [smem:$0x3FAA]  }
0x29: {  	s4 =	sld [smem:$0x3FAC]  }
0x2a: {  	p0 =	seq.s32 s5, $0x0;
	s5 =	sld [smem:$0x3FAD]  }
0x2b: {  	s6 =	sld [smem:$0x3FAE]  }
0x2c: {  	s7 =	sld [smem:$0x3FAF]  }
0x2d: {  	s3 =	simm.s32 $0x108;
	s8 =	sld [smem:$0x3FB0]  }
0x2e: {  	s3 =	simm.s32 @!p0 $0x1082;
	s9 =	sld [smem:$0x3FB1]  }
0x2f: {  	lr =	sadd.s32 s0, s3;
	s0 =	sld [smem:$0x3FA8]  }
0x30: {  	s3 =	sld [smem:$0x3FAB]  }
0x31: {  	[smem:$0x3FB4] =	sst s10  }
0x32: {  	s10 =	sld [smem:$0x3FB2];
	_ =	sdelay $0x3  }
0x33: {  	p0 =	seq.s32 s10, $0x1;
	s10 =	sld [smem:$0x3FB4];
	_ =	sdelay $0x3  }
0x34: {  	[smem:$0x3FB4] =	sst s10  }
0x35: {  	s10 =	sld [smem:$0x3FB3];
	_ =	sdelay $0x3  }
0x36: {  	p1 =	seq.s32 s10, $0x1;
	s10 =	sld [smem:$0x3FB4];
	_ =	sdelay $0x3  }
0x37: {  	[smem:$0x3FB4] =	sst s10  }
0x38: {  	s10 =	sld [smem:$0x3FB5]  }
0x39: {  	_ = 	snop;
	(pc) =	sbr.ind lr, $3  }
0x3a: {  	_ = 	snop  }
0x3b: {  	_ = 	snop  }
0x3c: {  	p2 =	seq.s32 s10, $0x1;
	s10 =	sld [smem:$0x3FB4]  }
0x3d: {  	_ =	shalt  }
0x3e: {  	_ =	shalt  }
0x3f: {  	_ =	shalt  }
0x40: {  	_ =	shalt  }
0x41: {  	_ =	shalt  }
0x42: {  	_ =	shalt  }
0x43: {  	_ =	shalt  }
0x44: {  	_ =	shalt  }
0x45: {  	_ =	shalt  }
0x46: {  	_ =	shalt  }
0x47: {  	_ =	shalt  }
0x48: {  	_ =	shalt  }
0x49: {  	_ =	shalt  }
0x4a: {  	_ =	shalt  }
0x4b: {  	_ =	shalt  }
0x4c: {  	_ =	shalt  }
0x4d: {  	_ =	shalt  }
0x4e: {  	_ =	shalt  }
0x4f: {  	_ =	shalt  }
0x50: {  	_ =	shalt  }
0x51: {  	_ =	shalt  }
0x52: {  	_ =	shalt  }
0x53: {  	_ =	shalt  }
0x54: {  	_ =	shalt  }
0x55: {  	_ =	shalt  }
0x56: {  	_ =	shalt  }
0x57: {  	_ =	shalt  }
0x58: {  	_ =	shalt  }
0x59: {  	_ =	shalt  }
0x5a: {  	_ =	shalt  }
0x5b: {  	_ =	shalt  }
0x5c: {  	_ =	shalt  }
0x5d: {  	_ =	shalt  }
0x5e: {  	_ =	shalt  }
0x5f: {  	_ =	shalt  }
0x60: {  	_ =	shalt  }
0x61: {  	_ =	shalt  }
0x62: {  	_ =	shalt  }
0x63: {  	_ =	shalt  }
0x64: {  	_ =	shalt  }
0x65: {  	_ =	shalt  }
0x66: {  	_ =	shalt  }
0x67: {  	_ =	shalt  }
0x68: {  	_ =	shalt  }
0x69: {  	_ =	shalt  }
0x6a: {  	_ =	shalt  }
0x6b: {  	_ =	shalt  }
0x6c: {  	_ =	shalt  }
0x6d: {  	_ =	shalt  }
0x6e: {  	_ =	shalt  }
0x6f: {  	_ =	shalt  }
0x70: {  	_ =	shalt  }
0x71: {  	_ =	shalt  }
0x72: {  	_ =	shalt  }
0x73: {  	_ =	shalt  }
0x74: {  	_ =	shalt  }
0x75: {  	_ =	shalt  }
0x76: {  	_ =	shalt  }
0x77: {  	_ =	shalt  }
0x78: {  	_ =	shalt  }
0x79: {  	_ =	shalt  }
0x7a: {  	_ =	shalt  }
0x7b: {  	_ =	shalt  }
0x7c: {  	_ =	shalt  }
0x7d: {  	_ =	shalt  }
0x7e: {  	_ =	shalt  }
0x7f: {  	_ =	shalt  }
0x80: {  	_ =	shalt  }
0x81: {  	_ =	shalt  }
0x82: {  	_ =	shalt  }
0x83: {  	_ =	shalt  }
0x84: {  	_ =	shalt  }
0x85: {  	_ =	shalt  }
0x86: {  	_ =	shalt  }
0x87: {  	_ =	shalt  }
.Lfunc_end0:
.L_simem_size_0:
called_computation_lowered:
.L_overlay_start_0:
0x88: {  	s2 =	sld [smem:$0x3FD9]  }
0x89: {  	s3 =	sld [smem:$0x3FFE];
	_ =	sdelay $0x1  }
0x8a: {  	s1 =	srdreg.scid  }
0x8b: {  	s0 =	sand.u32 $0x1, s1  }
0x8c: {  	s17 =	sshll.u32 s0, $0xA;
	s2 =	sadd.s32 s3, s2  }
0x8d: {  	s2 =	sadd.s32 s2, s17  }
0x8e: {  	[smem:$0x3FC0] =	sst s2  }
0x8f: {  	_ = 	snop  }
0x90: {  	s2 =	sld [smem:$0x3FD0];
	(tm) =	ssettm $0x1  }
0x91: {  	s18 =	sld [smem:$0x3FFB];
	_ =	sdelay $0x3  }
0x92: {  	_ =	strace s18  }
0x93: {  	s3 =	sld [smem:$0x3FFC];
	_ =	sdelay $0x3  }
0x94: {  	_ =	strace s3  }
0x95: {  	s3 =	sld [smem:$0x3FFD];
	_ =	sdelay $0x3  }
0x96: {  	_ =	strace s3  }
0x97: {  	_ =	strace $0x8FFFFFFF  }
0x98: {  	s19 =	sld [smem:$0x3FDB];
	_ =	sdelay $0x1  }
0x99: {  	s4 =	simm.s32 $_scs_section_size  }
0x9a: {  	s5 =	simm.s32 $_size__tile_overlayer_lowered;
	s6 =	simm.s32 $_tile_overlayer_lowered  }
0x9b: {  	s22 =	simm.s32 $0x1BFF;
	s21 =	sshll.u32 s6, $0x1;
	s3 =	sadd.s32 s4, s19  }
0x9c: {  	s7 =	simm.s32 $0x0;
	s20 =	sshll.u32 s5, $0x1;
	s5 =	sadd.s32 s21, s3  }
0x9d: {  	[timem:s7], [sflag:s22] =	dma.local [hbm:s5], s20  }
0x9e: {  	_ =	swait.ge [sflag:s22], s20  }
0x9f: {  	s4 =	ssub.s32 $0x0, s20;
	[sflag:s22] =	ssyncset.done $0x0  }
0xa0: {  	[sflag:s22] =	ssyncadd.s32 s4;
	_ =	sdelay $0x1  }
0xa1: {  	s23 =	simm.s32 $0x1B8B  }
0xa2: {  	_ =	swait.ge [sflag:s23], $0x1  }
0xa3: {  	[sflag:s23] =	ssyncset.done $0x0  }
0xa4: {  	s25 =	simm.s32 $0x1B8E;
	s24 =	sld [smem:$0x3FFE];
	[sflag:s23] =	ssyncadd.s32 $0xFFFFFFFF  }
0xa5: {  	s26 =	simm.s32 $execute0_lowered;
	[smem:$0x3FD2] =	sst s25  }
0xa6: {  	s5 =	sshll.u32 s26, $0x1;
	_ =	strace $0x80000046;
	[dreg:$0x1] =	wrdreg $0xFFFFFFFF  }
0xa7: {  	s28 =	simm.s32 $_size_execute0_lowered;
	s3 =	sadd.s32 s3, s5;
	[dreg:$0x0] =	wrdreg $0x0  }
0xa8: {  	s5 =	sshll.u32 s28, $0x1;
	[dreg:$0x2] =	wrdreg s3  }
0xa9: {  	[dreg:$0x3] =	wrdreg s5  }
0xaa: {  	[dreg:$0x4] =	wrdreg $0xC0  }
0xab: {  	_ =	task [dreg:s7], $0x5FFFF  }
0xac: {  	[dreg:$0x1] =	wrdreg $0xFFFFFFFF  }
0xad: {  	[dreg:$0x0] =	wrdreg $0x60  }
0xae: {  	[dreg:$0x2] =	wrdreg s24  }
0xaf: {  	[dreg:$0x3] =	wrdreg s2  }
0xb0: {  	[dreg:$0x4] =	wrdreg $0x0  }
0xb1: {  	[dreg:$0x5] =	wrdreg $0x9  }
0xb2: {  	_ =	task.clear_ibuf [dreg:s7], $0x6FFFF;
	_ =	strace $0x90000046  }
0xb3: {  	s29 =	simm.s32 $0x9;
	_ =	strace $0x80000048  }
0xb4: {  	_ =	swait.ge [sflag:s29], $0x1  }
0xb5: {  	[sflag:s29] =	ssyncadd.s32 $0xFFFFFFFF  }
0xb6: {  	_ =	strace $0x90000048  }
0xb7: {  	_ =	sfence  }
0xb8: {  	s30 =	sld [smem:$0x0];
	_ =	sdelay $0x2  }
0xb9: {  	s31 =	sshll.u32 s1, $0xD;
	s1 =	sshrl.u32 s1, $0x2  }
0xba: {  	s3 =	sand.u32 $0x4000, s31;
	s1 =	sadd.s32 s1, s30  }
0xbb: {  	s0 =	sor.u32 s3, s0;
	s1 =	sshll.u32 s1, $0x11  }
0xbc: {  	s0 =	sor.u32 s1, s0  }
0xbd: {  	s0 =	sadd.s32 $0x8F2B, s0  }
0xbe: {  	[sflag:s0] =	ssyncadd.remote.s32 $0x1  }
0xbf: {  	_ =	sfence.sel $0xFFFF  }
0xc0: {  	[dreg:$0x0] =	wrdreg $0xFFFFFFFF;
	(pc) =	sbr.abs _section_cstart, $3  }
0xc1: {  	[dreg:$0x1] =	wrdreg $0xFFFFFFFF  }
0xc2: {  	_ =	task.clear_ibuf [dreg:s7], $0x2FFFF;
	_ =	strace $0x9FFFFFFF  }
0xc3: {  	(tm) =	ssettm $0x7FFFFFFF  }
tec
execute0_lowered:
.L_overlay_start_1:
0x0: {  	(tag) =	ssettag $0x1  }
0x1: {  	s6 =	rddreg [dreg:$0x0]  }
0x2: {  	s0 =	srdreg.scid;
	s2 =	rddreg [dreg:$0x1]  }
0x3: {  	s3 =	rddreg [dreg:$0x2];
	s4 =	simm.s32 $0x0;
	s13 =	simm.s32 $0x14000  }
0x4: {  	s14 =	simm.s32 $0x80;
	s15 =	simm.s32 $0x14080;
	s16 =	simm.s32 $0x1  }
0x5: {  	s17 =	simm.s32 $0x2;
	s5 =	sand.u32 $0x1, s0;
	s0 =	stileid.u32  }
0x6: {  	s18 =	simm.s32 $0x0;
	[smem:$0x7FF] =	sst s4;
	s8 =	smul.u32 $0x14000, s0  }
0x7: {  	s1 =	sshll.u32 s5, $0x4;
	s9 =	smul.u32 $0x140000, s5;
	s5 =	ssub.s32 $0x2, s5  }
0x8: {  	s28 =	smul.u32 $0x50000, s0;
	s31 =	sshll.u32 s0, $0x6;
	s1 =	sor.u32 s0, s1  }
0x9: {  	s29 =	sshrl.u32 s5, $0x1;
	s7 =	smul.u32 $0x500, s1;
	s1 =	rddreg [dreg:$0x3]  }
0xa: {  	_ =	strace $0x80000047;
	s10 =	sshrl.u32 s8, $0x3;
	s8 =	sadd.s32 s8, s9  }
0xb: {  	s11 =	ssub.s32 s5, s29;
	s30 =	sshrl.u32 s28, $0x2;
	s8 =	sshrl.u32 s8, $0x3  }
0xc: {  	s10 =	sadd.s32 s10, s6;
	s12 =	sadd.s32 s30, s3;
	s9 =	smax.u32 s11, $0x1  }
0xd: {  	s11 =	simm.s32 $0x3;
	s7 =	sadd.s32 s7, s6;
	s8 =	sadd.s32 s8, s6  }
0xe: {  	s5 =	sadd.s32 $0x17800, s10;
	s6 =	sor.u32 $0x1C03, s31;
	s10 =	sshrl.u32 s12, $0x3  }
0xf: {  	s12 =	simm.s32 $0x16800;
	s7 =	sadd.s32 $0xD800, s7;
	s8 =	sadd.s32 $0x3F800, s8  }
.LBB2_1:
0x10: {  	[spmem:s10], [sflag:s6] =	dma.local [hbm:s5], $0x2800  }
0x11: {  	_ =	swait.ge [sflag:s11], $0x2800  }
0x12: {  	[sflag:s11] =	ssyncset.done $0x0  }
0x13: {  	[sflag:s11] =	ssyncadd.s32 $0xFFFFD800  }
0x14: {  	[tilespmem:s12], [sflag:$0x3] =	stream.linear.gather [hbm4b:s2+s4], $0x4000, $0x38;
	[tilespmem:$0x1A800] =	vst v63  }
0x15: {  	_ =	swait.ge [sflag:s11], $0x4000  }
0x16: {  	[sflag:s11] =	ssyncset.done $0x0  }
0x17: {  	[sflag:s11] =	ssyncadd.s32 $0xFFFFC000  }
0x18: {  	[tilespmem:s13], [sflag:$0x3] =	stream.linear.gather [hbm4b:s7+s4], $0x2800, $0x38;
	[tilespmem:$0x1A800] =	vst v63  }
0x19: {  	_ =	swait.ge [sflag:s11], $0x2800  }
0x1a: {  	[sflag:s11] =	ssyncset.done $0x0  }
0x1b: {  	[sflag:s11] =	ssyncadd.s32 $0xFFFFD800  }
0x1c: {  	[bflag:$0x0] =	sbarrier.arrive $0xFFFF  }
0x1d: {  	[spmem:s3] =	stream.indirect.scatter.add.f32 [tilespmem:s12], [sflag:$0x1], $0x80, s13, s14, $0xb8;
	[tilespmem:$0x1A800] =	vst v63  }
0x1e: {  	_ = 	snop  }
0x1f: {  	[spmem:s3] =	stream.indirect.scatter.add.f32 [tilespmem:s12], [sflag:$0x2], $0x80, s15, s14, $0xb8;
	[tilespmem:$0x1A800] =	vst v63  }
0x20: {  	_ =	swait.ge [sflag:s16], $0x4000  }
0x21: {  	[sflag:s16] =	ssyncset.done $0x0  }
0x22: {  	[sflag:s16] =	ssyncadd.s32 $0xFFFFC000  }
0x23: {  	_ =	swait.ge [sflag:s17], $0x4000  }
0x24: {  	[sflag:s17] =	ssyncset.done $0x0  }
0x25: {  	s19 =	simm.s32 $0x14100;
	[sflag:s17] =	ssyncadd.s32 $0xFFFFC000  }
0x26: {  	[spmem:s3] =	stream.indirect.scatter.add.f32 [tilespmem:s12], [sflag:$0x1], $0x80, s19, s14, $0xb8;
	[tilespmem:$0x1A800] =	vst v63  }
0x27: {  	s20 =	simm.s32 $0x14180;
	s19 =	simm.s32 $0xFFFF6800  }
.LBB2_2:
0x28: {  	[spmem:s3] =	stream.indirect.scatter.add.f32 [tilespmem:s12], [sflag:$0x2], $0x80, s20, s14, $0xb8;
	[tilespmem:$0x1A800] =	vst v63  }
0x29: {  	s20 =	smov.u32 s19  }
0x2a: {  	p0 =	sne.s32 s19, $0xFFFFFC00;
	s19 =	sadd.s32 $0x400, s19;
	_ =	swait.ge [sflag:s16], $0x4000  }
0x2b: {  	[sflag:s16] =	ssyncset.done $0x0  }
0x2c: {  	[sflag:s16] =	ssyncadd.s32 $0xFFFFC000  }
.Ltmp0:
0x2d: {  	_ =	swait.ge [sflag:s17], $0x4000;
	(pc) =	sbr.rel @p0 .LBB2_2-.Ltmp0, $4  }
0x2e: {  	s20 =	sshra.s32 s20, $0x2;
	[sflag:s17] =	ssyncset.done $0x0  }
0x2f: {  	s21 =	sadd.s32 $0x16800, s20;
	[sflag:s17] =	ssyncadd.s32 $0xFFFFC000  }
0x30: {  	[spmem:s3] =	stream.indirect.scatter.add.f32 [tilespmem:s12], [sflag:$0x1], $0x80, s21, s14, $0xb8;
	[tilespmem:$0x1A800] =	vst v63  }
0x31: {  	s20 =	sadd.s32 $0x16880, s20  }
0x32: {  	[spmem:s3] =	stream.indirect.scatter.add.f32 [tilespmem:s12], [sflag:$0x2], $0x80, s20, s14, $0xb8;
	[tilespmem:$0x1A800] =	vst v63  }
0x33: {  	_ =	swait.ge [sflag:s16], $0x4000  }
0x34: {  	[sflag:s16] =	ssyncset.done $0x0  }
0x35: {  	[sflag:s16] =	ssyncadd.s32 $0xFFFFC000  }
0x36: {  	_ =	swait.ge [sflag:s17], $0x4000  }
0x37: {  	s18 =	sadd.s32 $0x1, s18;
	[sflag:s17] =	ssyncset.done $0x0  }
0x38: {  	p0 =	sne.s32 s18, s9;
	[sflag:s17] =	ssyncadd.s32 $0xFFFFC000  }
.Ltmp1:
0x39: {  	[bflag:$0x0] =	sbarrier.arrive $0xFFFF;
	(pc) =	sbr.rel @p0 .LBB2_1-.Ltmp1, $4  }
0x3a: {  	[hbm:s8], [sflag:s6] =	dma.local [spmem:s10], $0x2800  }
0x3b: {  	_ =	swait.ge [sflag:s11], $0x2800  }
0x3c: {  	[sflag:s11] =	ssyncset.done $0x0  }
0x3d: {  	[sflag:s11] =	ssyncadd.s32 $0xFFFFD800  }
0x3e: {  	_ =	sfence.sel $0x180000  }
0x3f: {  	[bflag:$0x0] =	sbarrier.arrive $0xFFFF  }
0x40: {  	p0 =	sne.s32 s0, $0x0;
	_ =	strace $0x90000047  }
0x41: {  	s0 =	sadd.s32 @!p0 $0x100000, s1;
	[bflag:$0x2] =	sbarrier.arrive $0xFFFF  }
0x42: {  	[sflag:s0] =	ssyncadd.tile.s32 @!p0 $0x1;
	_ =	shalt  }
.Lfunc_end2:
_tile_overlayer_lowered:
.L_overlay_start_2:
0x43: {  	(tag) =	ssettag $0x2  }
0x44: {  	s0 =	rddreg [dreg:$0x0];
	s2 =	stileid.u32  }
0x45: {  	s1 =	rddreg [dreg:$0x1];
	p0 =	sne.s32 s2, $0x0  }
0x46: {  	s3 =	rddreg [dreg:$0x2];
	[bflag:$0x3] =	sbarrier.arrive $0xFFFF;
	s2 =	simm.s32 @!p0 $0x1C03  }
0x47: {  	[timem:s3], [sflag:s2] =	dma.local @!p0 [hbm:s0], s1  }
0x48: {  	s0 =	simm.s32 @!p0 $0x3  }
0x49: {  	_ =	swait.ge @!p0 [sflag:s0], s1  }
0x4a: {  	s1 =	ssub.s32 @!p0 $0x0, s1;
	[sflag:s0] =	ssyncset.done @!p0 $0x0  }
0x4b: {  	[sflag:s0] =	ssyncadd.s32 @!p0 s1  }
0x4c: {  	[bflag:$0x3] =	sbarrier.arrive $0xFFFF  }
0x4d: {  	_ =	shalt  }

</sc_bundles>
